<compile_context>
chip_gen: v7x
topology: tpu7x:2x2x1
jax: 0.10.2.dev20260603
libtpu: 0.0.44.dev20260713+nightly
codegen_flags: <defaults>
</compile_context>

<pallas_src>
import functools

import jax
import jax.numpy as jnp
from jax import lax
from jax.experimental import pallas as pl
from jax.experimental.pallas import tpu as pltpu
from jax.experimental.pallas import tpu_sc as plsc

N = 10000
E = 320000
D = 128
NC = 2
NS = 16
NW = NC * NS
K = 128
CHUNKS = 80
CPP = CHUNKS // 2
EPW = CHUNKS * K
E_PAD = EPW * NW
N_PAD = 10240
ZR = N_PAD // NS

_mesh = plsc.VectorSubcoreMesh(
    core_axis_name="c", subcore_axis_name="s", num_cores=NC, num_subcores=NS
)


@functools.partial(
    pl.kernel,
    out_type=jax.ShapeDtypeStruct((NC, N_PAD, D), jnp.float32),
    mesh=_mesh,
    scratch_types=[
        pltpu.VMEM((CPP, K), jnp.int32),
        pltpu.VMEM((CPP, K), jnp.int32),
        pltpu.VMEM((K, D), jnp.float32),
        pltpu.VMEM((K, D), jnp.float32),
        pltpu.VMEM_SHARED((N_PAD, D), jnp.float32),
        pltpu.SemaphoreType.DMA,
        pltpu.SemaphoreType.DMA,
    ],
)
def _sc_agg(h_hbm, src_hbm, dst_hbm, zeros_hbm, out_hbm,
            src_v, dst_v, rows0, rows1, acc, sem0, sem1):
    c = lax.axis_index("c")
    s = lax.axis_index("s")
    w = s * NC + c
    pltpu.sync_copy(zeros_hbm, acc.at[pl.ds(s * ZR, ZR)])

    def _fire(j, buf, sem):
        pltpu.async_copy(h_hbm.at[src_v.at[j]], buf, sem)

    def _drain_scatter(j, buf, sem):
        pltpu.make_async_copy(h_hbm.at[src_v.at[j]], buf, sem).wait()
        pltpu.sync_copy(buf, acc.at[dst_v.at[j]], add=True)

    plsc.subcore_barrier()

    for phase in range(CHUNKS // CPP):
        pltpu.sync_copy(src_hbm.at[w, pl.ds(phase * CPP, CPP)], src_v)
        pltpu.sync_copy(dst_hbm.at[w, pl.ds(phase * CPP, CPP)], dst_v)
        _fire(0, rows0, sem0)

        @pl.loop(0, CPP - 2, step=2)
        def _chunk(j0):
            _fire(j0 + 1, rows1, sem1)
            _drain_scatter(j0, rows0, sem0)
            _fire(j0 + 2, rows0, sem0)
            _drain_scatter(j0 + 1, rows1, sem1)

        _fire(CPP - 1, rows1, sem1)
        _drain_scatter(CPP - 2, rows0, sem0)
        _drain_scatter(CPP - 1, rows1, sem1)

    plsc.subcore_barrier()
    pltpu.sync_copy(acc.at[pl.ds(s * ZR, ZR)],
                    out_hbm.at[c, pl.ds(s * ZR, ZR)])


BN = 2000


def _lin_body(x_ref, p_ref, w_ref, b_ref, o_ref, *, relu):
    h = x_ref[...] + p_ref[0] + p_ref[1]
    y = lax.dot_general(h, w_ref[...], (((1,), (1,)), ((), ())),
                        preferred_element_type=jnp.float32)
    y = y + b_ref[...]
    if relu:
        y = jnp.maximum(y, 0.0)
    o_ref[...] = y


def _linear(x, p, w, b, relu):
    return pl.pallas_call(
        functools.partial(_lin_body, relu=relu),
        grid=(N // BN,),
        in_specs=[
            pl.BlockSpec((BN, D), lambda i: (i, 0)),
            pl.BlockSpec((NC, BN, D), lambda i: (0, i, 0)),
            pl.BlockSpec((D, D), lambda i: (0, 0)),
            pl.BlockSpec((1, D), lambda i: (0, 0)),
        ],
        out_specs=pl.BlockSpec((BN, D), lambda i: (i, 0)),
        out_shape=jax.ShapeDtypeStruct((N, D), jnp.float32),
    )(x, p, w, b)


def kernel(x, adj_t, W1, b1, W2, b2):
    src = adj_t[0].astype(jnp.int32)
    dst = adj_t[1].astype(jnp.int32)
    pad = E_PAD - E
    pad_i = jnp.arange(pad, dtype=jnp.int32)
    src = jnp.concatenate([src, pad_i % N]).reshape(NW, CHUNKS, K)
    dst = jnp.concatenate([dst, N + pad_i % (N_PAD - N)]).reshape(NW, CHUNKS, K)
    zeros = jnp.zeros((ZR, D), jnp.float32)
    b1r = b1.reshape(1, D)
    b2r = b2.reshape(1, D)

    p1 = _sc_agg(x, src, dst, zeros)
    h = _linear(x, p1, W1, b1r, relu=True)
    p2 = _sc_agg(h, src, dst, zeros)
    return _linear(h, p2, W2, b2r, relu=False)

# --- scband reference (transcript-rebuilt; emitter-appended) ---
"""Pipeline reference for scband-gin-1803886264475 (READ-ONLY COPY).

The authoritative reference and input builder live on the scoring server;
editing this copy changes nothing except your own understanding.
"""

import jax, jax.numpy as jnp
import numpy as np

N = 10000
E = 320000
D_IN = 128
D_HID = 128
D_OUT = 128


def setup_inputs(seed: int = 0) -> dict:
    key = jax.random.key(seed)
    k_x, k_e, k_w1, k_b1, k_w2, k_b2 = jax.random.split(key, 6)
    x = jax.random.normal(k_x, (N, D_IN), dtype=jnp.float32)
    adj_t = jax.random.randint(k_e, (2, E), 0, N, dtype=jnp.int64)
    # Linear layers (PyTorch convention: W[out, in], y = x @ W.T + b)
    lim1 = 1.0 / np.sqrt(D_IN)
    W1 = jax.random.uniform(k_w1, (D_HID, D_IN), minval=-lim1, maxval=lim1, dtype=jnp.float32)
    b1 = jax.random.uniform(k_b1, (D_HID,), minval=-lim1, maxval=lim1, dtype=jnp.float32)
    lim2 = 1.0 / np.sqrt(D_HID)
    W2 = jax.random.uniform(k_w2, (D_OUT, D_HID), minval=-lim2, maxval=lim2, dtype=jnp.float32)
    b2 = jax.random.uniform(k_b2, (D_OUT,), minval=-lim2, maxval=lim2, dtype=jnp.float32)
    return {"x": x, "adj_t": adj_t, "W1": W1, "b1": b1, "W2": W2, "b2": b2}


def _gin_conv(x, edge_index, W, b, eps=0.0):
    # PyG GINConv: out = nn((1 + eps) * x_i + sum_{j in N(i)} x_j)
    src = edge_index[0]
    dst = edge_index[1]
    msgs = jnp.take(x, src, axis=0)                      # gather (SparseCore)
    agg = jnp.zeros_like(x).at[dst].add(msgs)            # scatter-add (SparseCore)
    h = (1.0 + eps) * x + agg
    return h @ W.T + b


def reference(x, adj_t, W1, b1, W2, b2):
    # x is float -> node_embedding branch is skipped (matches torch forward)
    h = _gin_conv(x, adj_t, W1, b1)
    h = jax.nn.relu(h)
    # F.dropout with training=False (eval mode) is identity
    out = _gin_conv(h, adj_t, W2, b2)
    return out

if __name__ == "__main__":
    import jax
    _d = setup_inputs()
    print(jax.jit(kernel)(*tuple(_d.values())))

</pallas_src>

<mosaic_0001>
#map = affine_map<(d0, d1) -> (0, 0)>
#map1 = affine_map<(d0, d1) -> (0, 0, 0)>
module attributes {stable_mosaic.version = 14 : i64} {
  func.func @_sc_agg(%arg0: i32, %arg1: i32, %arg2: memref<10000x128xf32, #tpu.memory_space<hbm>>, %arg3: memref<32x80x128xi32, #tpu.memory_space<hbm>>, %arg4: memref<32x80x128xi32, #tpu.memory_space<hbm>>, %arg5: memref<640x128xf32, #tpu.memory_space<hbm>>, %arg6: memref<2x10240x128xf32, #tpu.memory_space<hbm>>, %arg7: memref<40x128xi32, #tpu.memory_space<vmem>>, %arg8: memref<40x128xi32, #tpu.memory_space<vmem>>, %arg9: memref<128x128xf32, #tpu.memory_space<vmem>>, %arg10: memref<128x128xf32, #tpu.memory_space<vmem>>, %arg11: memref<10240x128xf32, #tpu.memory_space<vmem_shared>>, %arg12: memref<!tpu.dma_semaphore, #tpu.memory_space<semaphore_mem>>, %arg13: memref<!tpu.dma_semaphore, #tpu.memory_space<semaphore_mem>>) attributes {dimension_semantics = [#tpu.dimension_semantics<core_parallel>, #tpu.dimension_semantics<subcore_parallel>], iteration_bounds = array<i64: 2, 16>, scalar_prefetch = 0 : i64, scratch_operands = 7 : i64, tpu.core_type = #tpu.core_type<sc_vector_subcore>, window_params = [{transform_indices = #map}, {transform_indices = #map1}, {transform_indices = #map1}, {transform_indices = #map}, {transform_indices = #map1}]} {
    %mul3A = arith.constant 2 : i32
    %mul3A_0 = arith.muli %arg1, %mul3A : i32
    %add3A = arith.addi %mul3A_0, %arg0 : i32
    %mul3A_1 = arith.constant 640 : i32
    %mul3A_2 = arith.muli %arg1, %mul3A_1 : i32
    "tpu.region"() ({
      %run_scoped3A_74 = tpu.sem_alloc : memref<!tpu.dma_semaphore, #tpu.memory_space<semaphore_mem>>
      %dma_start3A_75 = arith.constant 0 : i32
      %dma_start3A_76 = tpu.memref_slice %arg11[%mul3A_2, %dma_start3A_75] : memref<10240x128xf32, #tpu.memory_space<vmem_shared>> -> memref<640x128xf32, #tpu.memory_space<vmem_shared>>
      tpu.enqueue_dma source(%arg5 : memref<640x128xf32, #tpu.memory_space<hbm>>) target(%dma_start3A_76 : memref<640x128xf32, #tpu.memory_space<vmem_shared>>) target_semaphore(%run_scoped3A_74 : memref<!tpu.dma_semaphore, #tpu.memory_space<semaphore_mem>>)
      %dma_wait3A_77 = arith.constant 0 : i32
      %dma_wait3A_78 = tpu.memref_slice %arg11[%mul3A_2, %dma_wait3A_77] : memref<10240x128xf32, #tpu.memory_space<vmem_shared>> -> memref<640x128xf32, #tpu.memory_space<vmem_shared>>
      tpu.wait_dma2 semaphore(%run_scoped3A_74 : memref<!tpu.dma_semaphore, #tpu.memory_space<semaphore_mem>>) src(%arg5 : memref<640x128xf32, #tpu.memory_space<hbm>>) dst(%dma_wait3A_78 : memref<640x128xf32, #tpu.memory_space<vmem_shared>>)
      tpu.yield
    }) : () -> ()
    %barrier3A = arith.constant 0 : index
    tpu.barrier barrier_id(%barrier3A)
    "tpu.region"() ({
      %run_scoped3A_74 = tpu.sem_alloc : memref<!tpu.dma_semaphore, #tpu.memory_space<semaphore_mem>>
      %dma_start3A_75 = arith.constant 0 : i32
      %dma_start3A_76 = arith.constant 0 : i32
      %dma_start3A_77 = tpu.memref_slice %arg3[%add3A, %dma_start3A_75, %dma_start3A_76] : memref<32x80x128xi32, #tpu.memory_space<hbm>> -> memref<1x40x128xi32, #tpu.memory_space<hbm>>
      %dma_start3A_78 = tpu.memref_squeeze %dma_start3A_77 : memref<1x40x128xi32, #tpu.memory_space<hbm>> -> memref<40x128xi32, #tpu.memory_space<hbm>>
      %dma_start3A_79 = arith.constant 0 : i32
      %dma_start3A_80 = arith.constant 0 : i32
      %dma_start3A_81 = tpu.memref_slice %arg3[%add3A, %dma_start3A_79, %dma_start3A_80] : memref<32x80x128xi32, #tpu.memory_space<hbm>> -> memref<1x40x128xi32, #tpu.memory_space<hbm>>
      %dma_start3A_82 = tpu.memref_squeeze %dma_start3A_81 : memref<1x40x128xi32, #tpu.memory_space<hbm>> -> memref<40x128xi32, #tpu.memory_space<hbm>>
      tpu.enqueue_dma source(%dma_start3A_82 : memref<40x128xi32, #tpu.memory_space<hbm>>) target(%arg7 : memref<40x128xi32, #tpu.memory_space<vmem>>) target_semaphore(%run_scoped3A_74 : memref<!tpu.dma_semaphore, #tpu.memory_space<semaphore_mem>>)
      %dma_wait3A_83 = arith.constant 0 : i32
      %dma_wait3A_84 = arith.constant 0 : i32
      %dma_wait3A_85 = tpu.memref_slice %arg3[%add3A, %dma_wait3A_83, %dma_wait3A_84] : memref<32x80x128xi32, #tpu.memory_space<hbm>> -> memref<1x40x128xi32, #tpu.memory_space<hbm>>
      %dma_wait3A_86 = tpu.memref_squeeze %dma_wait3A_85 : memref<1x40x128xi32, #tpu.memory_space<hbm>> -> memref<40x128xi32, #tpu.memory_space<hbm>>
      %dma_wait3A_87 = arith.constant 0 : i32
      %dma_wait3A_88 = arith.constant 0 : i32
      %dma_wait3A_89 = tpu.memref_slice %arg3[%add3A, %dma_wait3A_87, %dma_wait3A_88] : memref<32x80x128xi32, #tpu.memory_space<hbm>> -> memref<1x40x128xi32, #tpu.memory_space<hbm>>
      %dma_wait3A_90 = tpu.memref_squeeze %dma_wait3A_89 : memref<1x40x128xi32, #tpu.memory_space<hbm>> -> memref<40x128xi32, #tpu.memory_space<hbm>>
      tpu.wait_dma2 semaphore(%run_scoped3A_74 : memref<!tpu.dma_semaphore, #tpu.memory_space<semaphore_mem>>) src(%dma_wait3A_90 : memref<40x128xi32, #tpu.memory_space<hbm>>) dst(%arg7 : memref<40x128xi32, #tpu.memory_space<vmem>>)
      tpu.yield
    }) : () -> ()
    "tpu.region"() ({
      %run_scoped3A_74 = tpu.sem_alloc : memref<!tpu.dma_semaphore, #tpu.memory_space<semaphore_mem>>
      %dma_start3A_75 = arith.constant 0 : i32
      %dma_start3A_76 = arith.constant 0 : i32
      %dma_start3A_77 = tpu.memref_slice %arg4[%add3A, %dma_start3A_75, %dma_start3A_76] : memref<32x80x128xi32, #tpu.memory_space<hbm>> -> memref<1x40x128xi32, #tpu.memory_space<hbm>>
      %dma_start3A_78 = tpu.memref_squeeze %dma_start3A_77 : memref<1x40x128xi32, #tpu.memory_space<hbm>> -> memref<40x128xi32, #tpu.memory_space<hbm>>
      %dma_start3A_79 = arith.constant 0 : i32
      %dma_start3A_80 = arith.constant 0 : i32
      %dma_start3A_81 = tpu.memref_slice %arg4[%add3A, %dma_start3A_79, %dma_start3A_80] : memref<32x80x128xi32, #tpu.memory_space<hbm>> -> memref<1x40x128xi32, #tpu.memory_space<hbm>>
      %dma_start3A_82 = tpu.memref_squeeze %dma_start3A_81 : memref<1x40x128xi32, #tpu.memory_space<hbm>> -> memref<40x128xi32, #tpu.memory_space<hbm>>
      tpu.enqueue_dma source(%dma_start3A_82 : memref<40x128xi32, #tpu.memory_space<hbm>>) target(%arg8 : memref<40x128xi32, #tpu.memory_space<vmem>>) target_semaphore(%run_scoped3A_74 : memref<!tpu.dma_semaphore, #tpu.memory_space<semaphore_mem>>)
      %dma_wait3A_83 = arith.constant 0 : i32
      %dma_wait3A_84 = arith.constant 0 : i32
      %dma_wait3A_85 = tpu.memref_slice %arg4[%add3A, %dma_wait3A_83, %dma_wait3A_84] : memref<32x80x128xi32, #tpu.memory_space<hbm>> -> memref<1x40x128xi32, #tpu.memory_space<hbm>>
      %dma_wait3A_86 = tpu.memref_squeeze %dma_wait3A_85 : memref<1x40x128xi32, #tpu.memory_space<hbm>> -> memref<40x128xi32, #tpu.memory_space<hbm>>
      %dma_wait3A_87 = arith.constant 0 : i32
      %dma_wait3A_88 = arith.constant 0 : i32
      %dma_wait3A_89 = tpu.memref_slice %arg4[%add3A, %dma_wait3A_87, %dma_wait3A_88] : memref<32x80x128xi32, #tpu.memory_space<hbm>> -> memref<1x40x128xi32, #tpu.memory_space<hbm>>
      %dma_wait3A_90 = tpu.memref_squeeze %dma_wait3A_89 : memref<1x40x128xi32, #tpu.memory_space<hbm>> -> memref<40x128xi32, #tpu.memory_space<hbm>>
      tpu.wait_dma2 semaphore(%run_scoped3A_74 : memref<!tpu.dma_semaphore, #tpu.memory_space<semaphore_mem>>) src(%dma_wait3A_90 : memref<40x128xi32, #tpu.memory_space<hbm>>) dst(%arg8 : memref<40x128xi32, #tpu.memory_space<vmem>>)
      tpu.yield
    }) : () -> ()
    %dma_start3A = arith.constant 0 : i32
    %dma_start3A_3 = arith.constant 0 : i32
    %dma_start3A_4 = tpu.memref_slice %arg7[%dma_start3A, %dma_start3A_3] : memref<40x128xi32, #tpu.memory_space<vmem>> -> memref<1x128xi32, #tpu.memory_space<vmem>>
    %dma_start3A_5 = tpu.memref_squeeze %dma_start3A_4 : memref<1x128xi32, #tpu.memory_space<vmem>> -> memref<128xi32, #tpu.memory_space<vmem>>
    %dma_start3A_6 = arith.constant 0 : i32
    %dma_start3A_7 = arith.constant 0 : i32
    %dma_start3A_8 = tpu.memref_slice %arg2[%dma_start3A_6, %dma_start3A_7] : memref<10000x128xf32, #tpu.memory_space<hbm>> -> memref<10000x128xf32, #tpu.memory_space<hbm>>
    tpu.enqueue_indirect_dma source(%dma_start3A_8 : memref<10000x128xf32, #tpu.memory_space<hbm>>) target(%arg9 : memref<128x128xf32, #tpu.memory_space<vmem>>) offsets(%dma_start3A_5 : memref<128xi32, #tpu.memory_space<vmem>>) semaphore(%arg12 : memref<!tpu.dma_semaphore, #tpu.memory_space<semaphore_mem>>)
    %scan3A = arith.constant 0 : i32
    %scan3A_9 = arith.constant 19 : i32
    %scan3A_10 = arith.addi %scan3A, %scan3A_9 : i32
    %scan3A_11 = arith.constant 1 : i32
    scf.for %scan3A_74 = %scan3A to %scan3A_10 step %scan3A_11  : i32 {
      %mul3A_75 = arith.constant 2 : i32
      %mul3A_76 = arith.muli %scan3A_74, %mul3A_75 : i32
      %add3A_77 = arith.constant 0 : i32
      %add3A_78 = arith.addi %add3A_77, %mul3A_76 : i32
      %add3A_79 = arith.constant 1 : i32
      %add3A_80 = arith.addi %add3A_78, %add3A_79 : i32
      %dma_start3A_81 = arith.constant 0 : i32
      %dma_start3A_82 = tpu.memref_slice %arg7[%add3A_80, %dma_start3A_81] : memref<40x128xi32, #tpu.memory_space<vmem>> -> memref<1x128xi32, #tpu.memory_space<vmem>>
      %dma_start3A_83 = tpu.memref_squeeze %dma_start3A_82 : memref<1x128xi32, #tpu.memory_space<vmem>> -> memref<128xi32, #tpu.memory_space<vmem>>
      %dma_start3A_84 = arith.constant 0 : i32
      %dma_start3A_85 = arith.constant 0 : i32
      %dma_start3A_86 = tpu.memref_slice %arg2[%dma_start3A_84, %dma_start3A_85] : memref<10000x128xf32, #tpu.memory_space<hbm>> -> memref<10000x128xf32, #tpu.memory_space<hbm>>
      tpu.enqueue_indirect_dma source(%dma_start3A_86 : memref<10000x128xf32, #tpu.memory_space<hbm>>) target(%arg10 : memref<128x128xf32, #tpu.memory_space<vmem>>) offsets(%dma_start3A_83 : memref<128xi32, #tpu.memory_space<vmem>>) semaphore(%arg13 : memref<!tpu.dma_semaphore, #tpu.memory_space<semaphore_mem>>)
      %dma_wait3A_87 = arith.constant 0 : i32
      %dma_wait3A_88 = tpu.memref_slice %arg7[%add3A_78, %dma_wait3A_87] : memref<40x128xi32, #tpu.memory_space<vmem>> -> memref<1x128xi32, #tpu.memory_space<vmem>>
      %dma_wait3A_89 = tpu.memref_squeeze %dma_wait3A_88 : memref<1x128xi32, #tpu.memory_space<vmem>> -> memref<128xi32, #tpu.memory_space<vmem>>
      %dma_wait3A_90 = arith.constant 0 : i32
      %dma_wait3A_91 = arith.constant 0 : i32
      %dma_wait3A_92 = tpu.memref_slice %arg2[%dma_wait3A_90, %dma_wait3A_91] : memref<10000x128xf32, #tpu.memory_space<hbm>> -> memref<10000x128xf32, #tpu.memory_space<hbm>>
      tpu.wait_indirect_dma semaphore(%arg12 : memref<!tpu.dma_semaphore, #tpu.memory_space<semaphore_mem>>) src(%dma_wait3A_92 : memref<10000x128xf32, #tpu.memory_space<hbm>>) dst(%arg9 : memref<128x128xf32, #tpu.memory_space<vmem>>)
      "tpu.region"() ({
        %run_scoped3A_109 = tpu.sem_alloc : memref<!tpu.dma_semaphore, #tpu.memory_space<semaphore_mem>>
        %dma_start3A_110 = arith.constant 0 : i32
        %dma_start3A_111 = tpu.memref_slice %arg8[%add3A_78, %dma_start3A_110] : memref<40x128xi32, #tpu.memory_space<vmem>> -> memref<1x128xi32, #tpu.memory_space<vmem>>
        %dma_start3A_112 = tpu.memref_squeeze %dma_start3A_111 : memref<1x128xi32, #tpu.memory_space<vmem>> -> memref<128xi32, #tpu.memory_space<vmem>>
        %dma_start3A_113 = arith.constant 0 : i32
        %dma_start3A_114 = arith.constant 0 : i32
        %dma_start3A_115 = tpu.memref_slice %arg11[%dma_start3A_113, %dma_start3A_114] : memref<10240x128xf32, #tpu.memory_space<vmem_shared>> -> memref<10240x128xf32, #tpu.memory_space<vmem_shared>>
        tpu.enqueue_indirect_dma source(%arg9 : memref<128x128xf32, #tpu.memory_space<vmem>>) target(%dma_start3A_115 : memref<10240x128xf32, #tpu.memory_space<vmem_shared>>) offsets(%dma_start3A_112 : memref<128xi32, #tpu.memory_space<vmem>>) semaphore(%run_scoped3A_109 : memref<!tpu.dma_semaphore, #tpu.memory_space<semaphore_mem>>) {add = true}
        %dma_wait3A_116 = arith.constant 0 : i32
        %dma_wait3A_117 = tpu.memref_slice %arg8[%add3A_78, %dma_wait3A_116] : memref<40x128xi32, #tpu.memory_space<vmem>> -> memref<1x128xi32, #tpu.memory_space<vmem>>
        %dma_wait3A_118 = tpu.memref_squeeze %dma_wait3A_117 : memref<1x128xi32, #tpu.memory_space<vmem>> -> memref<128xi32, #tpu.memory_space<vmem>>
        %dma_wait3A_119 = arith.constant 0 : i32
        %dma_wait3A_120 = arith.constant 0 : i32
        %dma_wait3A_121 = tpu.memref_slice %arg11[%dma_wait3A_119, %dma_wait3A_120] : memref<10240x128xf32, #tpu.memory_space<vmem_shared>> -> memref<10240x128xf32, #tpu.memory_space<vmem_shared>>
        tpu.wait_indirect_dma semaphore(%run_scoped3A_109 : memref<!tpu.dma_semaphore, #tpu.memory_space<semaphore_mem>>) src(%arg9 : memref<128x128xf32, #tpu.memory_space<vmem>>) dst(%dma_wait3A_121 : memref<10240x128xf32, #tpu.memory_space<vmem_shared>>)
        tpu.yield
      }) : () -> ()
      %add3A_93 = arith.constant 2 : i32
      %add3A_94 = arith.addi %add3A_78, %add3A_93 : i32
      %dma_start3A_95 = arith.constant 0 : i32
      %dma_start3A_96 = tpu.memref_slice %arg7[%add3A_94, %dma_start3A_95] : memref<40x128xi32, #tpu.memory_space<vmem>> -> memref<1x128xi32, #tpu.memory_space<vmem>>
      %dma_start3A_97 = tpu.memref_squeeze %dma_start3A_96 : memref<1x128xi32, #tpu.memory_space<vmem>> -> memref<128xi32, #tpu.memory_space<vmem>>
      %dma_start3A_98 = arith.constant 0 : i32
      %dma_start3A_99 = arith.constant 0 : i32
      %dma_start3A_100 = tpu.memref_slice %arg2[%dma_start3A_98, %dma_start3A_99] : memref<10000x128xf32, #tpu.memory_space<hbm>> -> memref<10000x128xf32, #tpu.memory_space<hbm>>
      tpu.enqueue_indirect_dma source(%dma_start3A_100 : memref<10000x128xf32, #tpu.memory_space<hbm>>) target(%arg9 : memref<128x128xf32, #tpu.memory_space<vmem>>) offsets(%dma_start3A_97 : memref<128xi32, #tpu.memory_space<vmem>>) semaphore(%arg12 : memref<!tpu.dma_semaphore, #tpu.memory_space<semaphore_mem>>)
      %add3A_101 = arith.constant 1 : i32
      %add3A_102 = arith.addi %add3A_78, %add3A_101 : i32
      %dma_wait3A_103 = arith.constant 0 : i32
      %dma_wait3A_104 = tpu.memref_slice %arg7[%add3A_102, %dma_wait3A_103] : memref<40x128xi32, #tpu.memory_space<vmem>> -> memref<1x128xi32, #tpu.memory_space<vmem>>
      %dma_wait3A_105 = tpu.memref_squeeze %dma_wait3A_104 : memref<1x128xi32, #tpu.memory_space<vmem>> -> memref<128xi32, #tpu.memory_space<vmem>>
      %dma_wait3A_106 = arith.constant 0 : i32
      %dma_wait3A_107 = arith.constant 0 : i32
      %dma_wait3A_108 = tpu.memref_slice %arg2[%dma_wait3A_106, %dma_wait3A_107] : memref<10000x128xf32, #tpu.memory_space<hbm>> -> memref<10000x128xf32, #tpu.memory_space<hbm>>
      tpu.wait_indirect_dma semaphore(%arg13 : memref<!tpu.dma_semaphore, #tpu.memory_space<semaphore_mem>>) src(%dma_wait3A_108 : memref<10000x128xf32, #tpu.memory_space<hbm>>) dst(%arg10 : memref<128x128xf32, #tpu.memory_space<vmem>>)
      "tpu.region"() ({
        %run_scoped3A_109 = tpu.sem_alloc : memref<!tpu.dma_semaphore, #tpu.memory_space<semaphore_mem>>
        %dma_start3A_110 = arith.constant 0 : i32
        %dma_start3A_111 = tpu.memref_slice %arg8[%add3A_102, %dma_start3A_110] : memref<40x128xi32, #tpu.memory_space<vmem>> -> memref<1x128xi32, #tpu.memory_space<vmem>>
        %dma_start3A_112 = tpu.memref_squeeze %dma_start3A_111 : memref<1x128xi32, #tpu.memory_space<vmem>> -> memref<128xi32, #tpu.memory_space<vmem>>
        %dma_start3A_113 = arith.constant 0 : i32
        %dma_start3A_114 = arith.constant 0 : i32
        %dma_start3A_115 = tpu.memref_slice %arg11[%dma_start3A_113, %dma_start3A_114] : memref<10240x128xf32, #tpu.memory_space<vmem_shared>> -> memref<10240x128xf32, #tpu.memory_space<vmem_shared>>
        tpu.enqueue_indirect_dma source(%arg10 : memref<128x128xf32, #tpu.memory_space<vmem>>) target(%dma_start3A_115 : memref<10240x128xf32, #tpu.memory_space<vmem_shared>>) offsets(%dma_start3A_112 : memref<128xi32, #tpu.memory_space<vmem>>) semaphore(%run_scoped3A_109 : memref<!tpu.dma_semaphore, #tpu.memory_space<semaphore_mem>>) {add = true}
        %dma_wait3A_116 = arith.constant 0 : i32
        %dma_wait3A_117 = tpu.memref_slice %arg8[%add3A_102, %dma_wait3A_116] : memref<40x128xi32, #tpu.memory_space<vmem>> -> memref<1x128xi32, #tpu.memory_space<vmem>>
        %dma_wait3A_118 = tpu.memref_squeeze %dma_wait3A_117 : memref<1x128xi32, #tpu.memory_space<vmem>> -> memref<128xi32, #tpu.memory_space<vmem>>
        %dma_wait3A_119 = arith.constant 0 : i32
        %dma_wait3A_120 = arith.constant 0 : i32
        %dma_wait3A_121 = tpu.memref_slice %arg11[%dma_wait3A_119, %dma_wait3A_120] : memref<10240x128xf32, #tpu.memory_space<vmem_shared>> -> memref<10240x128xf32, #tpu.memory_space<vmem_shared>>
        tpu.wait_indirect_dma semaphore(%run_scoped3A_109 : memref<!tpu.dma_semaphore, #tpu.memory_space<semaphore_mem>>) src(%arg10 : memref<128x128xf32, #tpu.memory_space<vmem>>) dst(%dma_wait3A_121 : memref<10240x128xf32, #tpu.memory_space<vmem_shared>>)
        tpu.yield
      }) : () -> ()
    }
    %scan3A_12 = arith.constant 19 : i32
    %dma_start3A_13 = arith.constant 39 : i32
    %dma_start3A_14 = arith.constant 0 : i32
    %dma_start3A_15 = tpu.memref_slice %arg7[%dma_start3A_13, %dma_start3A_14] : memref<40x128xi32, #tpu.memory_space<vmem>> -> memref<1x128xi32, #tpu.memory_space<vmem>>
    %dma_start3A_16 = tpu.memref_squeeze %dma_start3A_15 : memref<1x128xi32, #tpu.memory_space<vmem>> -> memref<128xi32, #tpu.memory_space<vmem>>
    %dma_start3A_17 = arith.constant 0 : i32
    %dma_start3A_18 = arith.constant 0 : i32
    %dma_start3A_19 = tpu.memref_slice %arg2[%dma_start3A_17, %dma_start3A_18] : memref<10000x128xf32, #tpu.memory_space<hbm>> -> memref<10000x128xf32, #tpu.memory_space<hbm>>
    tpu.enqueue_indirect_dma source(%dma_start3A_19 : memref<10000x128xf32, #tpu.memory_space<hbm>>) target(%arg10 : memref<128x128xf32, #tpu.memory_space<vmem>>) offsets(%dma_start3A_16 : memref<128xi32, #tpu.memory_space<vmem>>) semaphore(%arg13 : memref<!tpu.dma_semaphore, #tpu.memory_space<semaphore_mem>>)
    %dma_wait3A = arith.constant 38 : i32
    %dma_wait3A_20 = arith.constant 0 : i32
    %dma_wait3A_21 = tpu.memref_slice %arg7[%dma_wait3A, %dma_wait3A_20] : memref<40x128xi32, #tpu.memory_space<vmem>> -> memref<1x128xi32, #tpu.memory_space<vmem>>
    %dma_wait3A_22 = tpu.memref_squeeze %dma_wait3A_21 : memref<1x128xi32, #tpu.memory_space<vmem>> -> memref<128xi32, #tpu.memory_space<vmem>>
    %dma_wait3A_23 = arith.constant 0 : i32
    %dma_wait3A_24 = arith.constant 0 : i32
    %dma_wait3A_25 = tpu.memref_slice %arg2[%dma_wait3A_23, %dma_wait3A_24] : memref<10000x128xf32, #tpu.memory_space<hbm>> -> memref<10000x128xf32, #tpu.memory_space<hbm>>
    tpu.wait_indirect_dma semaphore(%arg12 : memref<!tpu.dma_semaphore, #tpu.memory_space<semaphore_mem>>) src(%dma_wait3A_25 : memref<10000x128xf32, #tpu.memory_space<hbm>>) dst(%arg9 : memref<128x128xf32, #tpu.memory_space<vmem>>)
    %run_scoped3A = arith.constant 38 : i32
    "tpu.region"() ({
      %run_scoped3A_74 = tpu.sem_alloc : memref<!tpu.dma_semaphore, #tpu.memory_space<semaphore_mem>>
      %dma_start3A_75 = arith.constant 0 : i32
      %dma_start3A_76 = tpu.memref_slice %arg8[%run_scoped3A, %dma_start3A_75] : memref<40x128xi32, #tpu.memory_space<vmem>> -> memref<1x128xi32, #tpu.memory_space<vmem>>
      %dma_start3A_77 = tpu.memref_squeeze %dma_start3A_76 : memref<1x128xi32, #tpu.memory_space<vmem>> -> memref<128xi32, #tpu.memory_space<vmem>>
      %dma_start3A_78 = arith.constant 0 : i32
      %dma_start3A_79 = arith.constant 0 : i32
      %dma_start3A_80 = tpu.memref_slice %arg11[%dma_start3A_78, %dma_start3A_79] : memref<10240x128xf32, #tpu.memory_space<vmem_shared>> -> memref<10240x128xf32, #tpu.memory_space<vmem_shared>>
      tpu.enqueue_indirect_dma source(%arg9 : memref<128x128xf32, #tpu.memory_space<vmem>>) target(%dma_start3A_80 : memref<10240x128xf32, #tpu.memory_space<vmem_shared>>) offsets(%dma_start3A_77 : memref<128xi32, #tpu.memory_space<vmem>>) semaphore(%run_scoped3A_74 : memref<!tpu.dma_semaphore, #tpu.memory_space<semaphore_mem>>) {add = true}
      %dma_wait3A_81 = arith.constant 0 : i32
      %dma_wait3A_82 = tpu.memref_slice %arg8[%run_scoped3A, %dma_wait3A_81] : memref<40x128xi32, #tpu.memory_space<vmem>> -> memref<1x128xi32, #tpu.memory_space<vmem>>
      %dma_wait3A_83 = tpu.memref_squeeze %dma_wait3A_82 : memref<1x128xi32, #tpu.memory_space<vmem>> -> memref<128xi32, #tpu.memory_space<vmem>>
      %dma_wait3A_84 = arith.constant 0 : i32
      %dma_wait3A_85 = arith.constant 0 : i32
      %dma_wait3A_86 = tpu.memref_slice %arg11[%dma_wait3A_84, %dma_wait3A_85] : memref<10240x128xf32, #tpu.memory_space<vmem_shared>> -> memref<10240x128xf32, #tpu.memory_space<vmem_shared>>
      tpu.wait_indirect_dma semaphore(%run_scoped3A_74 : memref<!tpu.dma_semaphore, #tpu.memory_space<semaphore_mem>>) src(%arg9 : memref<128x128xf32, #tpu.memory_space<vmem>>) dst(%dma_wait3A_86 : memref<10240x128xf32, #tpu.memory_space<vmem_shared>>)
      tpu.yield
    }) : () -> ()
    %dma_wait3A_26 = arith.constant 39 : i32
    %dma_wait3A_27 = arith.constant 0 : i32
    %dma_wait3A_28 = tpu.memref_slice %arg7[%dma_wait3A_26, %dma_wait3A_27] : memref<40x128xi32, #tpu.memory_space<vmem>> -> memref<1x128xi32, #tpu.memory_space<vmem>>
    %dma_wait3A_29 = tpu.memref_squeeze %dma_wait3A_28 : memref<1x128xi32, #tpu.memory_space<vmem>> -> memref<128xi32, #tpu.memory_space<vmem>>
    %dma_wait3A_30 = arith.constant 0 : i32
    %dma_wait3A_31 = arith.constant 0 : i32
    %dma_wait3A_32 = tpu.memref_slice %arg2[%dma_wait3A_30, %dma_wait3A_31] : memref<10000x128xf32, #tpu.memory_space<hbm>> -> memref<10000x128xf32, #tpu.memory_space<hbm>>
    tpu.wait_indirect_dma semaphore(%arg13 : memref<!tpu.dma_semaphore, #tpu.memory_space<semaphore_mem>>) src(%dma_wait3A_32 : memref<10000x128xf32, #tpu.memory_space<hbm>>) dst(%arg10 : memref<128x128xf32, #tpu.memory_space<vmem>>)
    %run_scoped3A_33 = arith.constant 39 : i32
    "tpu.region"() ({
      %run_scoped3A_74 = tpu.sem_alloc : memref<!tpu.dma_semaphore, #tpu.memory_space<semaphore_mem>>
      %dma_start3A_75 = arith.constant 0 : i32
      %dma_start3A_76 = tpu.memref_slice %arg8[%run_scoped3A_33, %dma_start3A_75] : memref<40x128xi32, #tpu.memory_space<vmem>> -> memref<1x128xi32, #tpu.memory_space<vmem>>
      %dma_start3A_77 = tpu.memref_squeeze %dma_start3A_76 : memref<1x128xi32, #tpu.memory_space<vmem>> -> memref<128xi32, #tpu.memory_space<vmem>>
      %dma_start3A_78 = arith.constant 0 : i32
      %dma_start3A_79 = arith.constant 0 : i32
      %dma_start3A_80 = tpu.memref_slice %arg11[%dma_start3A_78, %dma_start3A_79] : memref<10240x128xf32, #tpu.memory_space<vmem_shared>> -> memref<10240x128xf32, #tpu.memory_space<vmem_shared>>
      tpu.enqueue_indirect_dma source(%arg10 : memref<128x128xf32, #tpu.memory_space<vmem>>) target(%dma_start3A_80 : memref<10240x128xf32, #tpu.memory_space<vmem_shared>>) offsets(%dma_start3A_77 : memref<128xi32, #tpu.memory_space<vmem>>) semaphore(%run_scoped3A_74 : memref<!tpu.dma_semaphore, #tpu.memory_space<semaphore_mem>>) {add = true}
      %dma_wait3A_81 = arith.constant 0 : i32
      %dma_wait3A_82 = tpu.memref_slice %arg8[%run_scoped3A_33, %dma_wait3A_81] : memref<40x128xi32, #tpu.memory_space<vmem>> -> memref<1x128xi32, #tpu.memory_space<vmem>>
      %dma_wait3A_83 = tpu.memref_squeeze %dma_wait3A_82 : memref<1x128xi32, #tpu.memory_space<vmem>> -> memref<128xi32, #tpu.memory_space<vmem>>
      %dma_wait3A_84 = arith.constant 0 : i32
      %dma_wait3A_85 = arith.constant 0 : i32
      %dma_wait3A_86 = tpu.memref_slice %arg11[%dma_wait3A_84, %dma_wait3A_85] : memref<10240x128xf32, #tpu.memory_space<vmem_shared>> -> memref<10240x128xf32, #tpu.memory_space<vmem_shared>>
      tpu.wait_indirect_dma semaphore(%run_scoped3A_74 : memref<!tpu.dma_semaphore, #tpu.memory_space<semaphore_mem>>) src(%arg10 : memref<128x128xf32, #tpu.memory_space<vmem>>) dst(%dma_wait3A_86 : memref<10240x128xf32, #tpu.memory_space<vmem_shared>>)
      tpu.yield
    }) : () -> ()
    "tpu.region"() ({
      %run_scoped3A_74 = tpu.sem_alloc : memref<!tpu.dma_semaphore, #tpu.memory_space<semaphore_mem>>
      %dma_start3A_75 = arith.constant 40 : i32
      %dma_start3A_76 = arith.constant 0 : i32
      %dma_start3A_77 = tpu.memref_slice %arg3[%add3A, %dma_start3A_75, %dma_start3A_76] : memref<32x80x128xi32, #tpu.memory_space<hbm>> -> memref<1x40x128xi32, #tpu.memory_space<hbm>>
      %dma_start3A_78 = tpu.memref_squeeze %dma_start3A_77 : memref<1x40x128xi32, #tpu.memory_space<hbm>> -> memref<40x128xi32, #tpu.memory_space<hbm>>
      %dma_start3A_79 = arith.constant 40 : i32
      %dma_start3A_80 = arith.constant 0 : i32
      %dma_start3A_81 = tpu.memref_slice %arg3[%add3A, %dma_start3A_79, %dma_start3A_80] : memref<32x80x128xi32, #tpu.memory_space<hbm>> -> memref<1x40x128xi32, #tpu.memory_space<hbm>>
      %dma_start3A_82 = tpu.memref_squeeze %dma_start3A_81 : memref<1x40x128xi32, #tpu.memory_space<hbm>> -> memref<40x128xi32, #tpu.memory_space<hbm>>
      tpu.enqueue_dma source(%dma_start3A_82 : memref<40x128xi32, #tpu.memory_space<hbm>>) target(%arg7 : memref<40x128xi32, #tpu.memory_space<vmem>>) target_semaphore(%run_scoped3A_74 : memref<!tpu.dma_semaphore, #tpu.memory_space<semaphore_mem>>)
      %dma_wait3A_83 = arith.constant 40 : i32
      %dma_wait3A_84 = arith.constant 0 : i32
      %dma_wait3A_85 = tpu.memref_slice %arg3[%add3A, %dma_wait3A_83, %dma_wait3A_84] : memref<32x80x128xi32, #tpu.memory_space<hbm>> -> memref<1x40x128xi32, #tpu.memory_space<hbm>>
      %dma_wait3A_86 = tpu.memref_squeeze %dma_wait3A_85 : memref<1x40x128xi32, #tpu.memory_space<hbm>> -> memref<40x128xi32, #tpu.memory_space<hbm>>
      %dma_wait3A_87 = arith.constant 40 : i32
      %dma_wait3A_88 = arith.constant 0 : i32
      %dma_wait3A_89 = tpu.memref_slice %arg3[%add3A, %dma_wait3A_87, %dma_wait3A_88] : memref<32x80x128xi32, #tpu.memory_space<hbm>> -> memref<1x40x128xi32, #tpu.memory_space<hbm>>
      %dma_wait3A_90 = tpu.memref_squeeze %dma_wait3A_89 : memref<1x40x128xi32, #tpu.memory_space<hbm>> -> memref<40x128xi32, #tpu.memory_space<hbm>>
      tpu.wait_dma2 semaphore(%run_scoped3A_74 : memref<!tpu.dma_semaphore, #tpu.memory_space<semaphore_mem>>) src(%dma_wait3A_90 : memref<40x128xi32, #tpu.memory_space<hbm>>) dst(%arg7 : memref<40x128xi32, #tpu.memory_space<vmem>>)
      tpu.yield
    }) : () -> ()
    "tpu.region"() ({
      %run_scoped3A_74 = tpu.sem_alloc : memref<!tpu.dma_semaphore, #tpu.memory_space<semaphore_mem>>
      %dma_start3A_75 = arith.constant 40 : i32
      %dma_start3A_76 = arith.constant 0 : i32
      %dma_start3A_77 = tpu.memref_slice %arg4[%add3A, %dma_start3A_75, %dma_start3A_76] : memref<32x80x128xi32, #tpu.memory_space<hbm>> -> memref<1x40x128xi32, #tpu.memory_space<hbm>>
      %dma_start3A_78 = tpu.memref_squeeze %dma_start3A_77 : memref<1x40x128xi32, #tpu.memory_space<hbm>> -> memref<40x128xi32, #tpu.memory_space<hbm>>
      %dma_start3A_79 = arith.constant 40 : i32
      %dma_start3A_80 = arith.constant 0 : i32
      %dma_start3A_81 = tpu.memref_slice %arg4[%add3A, %dma_start3A_79, %dma_start3A_80] : memref<32x80x128xi32, #tpu.memory_space<hbm>> -> memref<1x40x128xi32, #tpu.memory_space<hbm>>
      %dma_start3A_82 = tpu.memref_squeeze %dma_start3A_81 : memref<1x40x128xi32, #tpu.memory_space<hbm>> -> memref<40x128xi32, #tpu.memory_space<hbm>>
      tpu.enqueue_dma source(%dma_start3A_82 : memref<40x128xi32, #tpu.memory_space<hbm>>) target(%arg8 : memref<40x128xi32, #tpu.memory_space<vmem>>) target_semaphore(%run_scoped3A_74 : memref<!tpu.dma_semaphore, #tpu.memory_space<semaphore_mem>>)
      %dma_wait3A_83 = arith.constant 40 : i32
      %dma_wait3A_84 = arith.constant 0 : i32
      %dma_wait3A_85 = tpu.memref_slice %arg4[%add3A, %dma_wait3A_83, %dma_wait3A_84] : memref<32x80x128xi32, #tpu.memory_space<hbm>> -> memref<1x40x128xi32, #tpu.memory_space<hbm>>
      %dma_wait3A_86 = tpu.memref_squeeze %dma_wait3A_85 : memref<1x40x128xi32, #tpu.memory_space<hbm>> -> memref<40x128xi32, #tpu.memory_space<hbm>>
      %dma_wait3A_87 = arith.constant 40 : i32
      %dma_wait3A_88 = arith.constant 0 : i32
      %dma_wait3A_89 = tpu.memref_slice %arg4[%add3A, %dma_wait3A_87, %dma_wait3A_88] : memref<32x80x128xi32, #tpu.memory_space<hbm>> -> memref<1x40x128xi32, #tpu.memory_space<hbm>>
      %dma_wait3A_90 = tpu.memref_squeeze %dma_wait3A_89 : memref<1x40x128xi32, #tpu.memory_space<hbm>> -> memref<40x128xi32, #tpu.memory_space<hbm>>
      tpu.wait_dma2 semaphore(%run_scoped3A_74 : memref<!tpu.dma_semaphore, #tpu.memory_space<semaphore_mem>>) src(%dma_wait3A_90 : memref<40x128xi32, #tpu.memory_space<hbm>>) dst(%arg8 : memref<40x128xi32, #tpu.memory_space<vmem>>)
      tpu.yield
    }) : () -> ()
    %dma_start3A_34 = arith.constant 0 : i32
    %dma_start3A_35 = arith.constant 0 : i32
    %dma_start3A_36 = tpu.memref_slice %arg7[%dma_start3A_34, %dma_start3A_35] : memref<40x128xi32, #tpu.memory_space<vmem>> -> memref<1x128xi32, #tpu.memory_space<vmem>>
    %dma_start3A_37 = tpu.memref_squeeze %dma_start3A_36 : memref<1x128xi32, #tpu.memory_space<vmem>> -> memref<128xi32, #tpu.memory_space<vmem>>
    %dma_start3A_38 = arith.constant 0 : i32
    %dma_start3A_39 = arith.constant 0 : i32
    %dma_start3A_40 = tpu.memref_slice %arg2[%dma_start3A_38, %dma_start3A_39] : memref<10000x128xf32, #tpu.memory_space<hbm>> -> memref<10000x128xf32, #tpu.memory_space<hbm>>
    tpu.enqueue_indirect_dma source(%dma_start3A_40 : memref<10000x128xf32, #tpu.memory_space<hbm>>) target(%arg9 : memref<128x128xf32, #tpu.memory_space<vmem>>) offsets(%dma_start3A_37 : memref<128xi32, #tpu.memory_space<vmem>>) semaphore(%arg12 : memref<!tpu.dma_semaphore, #tpu.memory_space<semaphore_mem>>)
    %scan3A_41 = arith.constant 0 : i32
    %scan3A_42 = arith.constant 19 : i32
    %scan3A_43 = arith.addi %scan3A_41, %scan3A_42 : i32
    %scan3A_44 = arith.constant 1 : i32
    scf.for %scan3A_74 = %scan3A_41 to %scan3A_43 step %scan3A_44  : i32 {
      %mul3A_75 = arith.constant 2 : i32
      %mul3A_76 = arith.muli %scan3A_74, %mul3A_75 : i32
      %add3A_77 = arith.constant 0 : i32
      %add3A_78 = arith.addi %add3A_77, %mul3A_76 : i32
      %add3A_79 = arith.constant 1 : i32
      %add3A_80 = arith.addi %add3A_78, %add3A_79 : i32
      %dma_start3A_81 = arith.constant 0 : i32
      %dma_start3A_82 = tpu.memref_slice %arg7[%add3A_80, %dma_start3A_81] : memref<40x128xi32, #tpu.memory_space<vmem>> -> memref<1x128xi32, #tpu.memory_space<vmem>>
      %dma_start3A_83 = tpu.memref_squeeze %dma_start3A_82 : memref<1x128xi32, #tpu.memory_space<vmem>> -> memref<128xi32, #tpu.memory_space<vmem>>
      %dma_start3A_84 = arith.constant 0 : i32
      %dma_start3A_85 = arith.constant 0 : i32
      %dma_start3A_86 = tpu.memref_slice %arg2[%dma_start3A_84, %dma_start3A_85] : memref<10000x128xf32, #tpu.memory_space<hbm>> -> memref<10000x128xf32, #tpu.memory_space<hbm>>
      tpu.enqueue_indirect_dma source(%dma_start3A_86 : memref<10000x128xf32, #tpu.memory_space<hbm>>) target(%arg10 : memref<128x128xf32, #tpu.memory_space<vmem>>) offsets(%dma_start3A_83 : memref<128xi32, #tpu.memory_space<vmem>>) semaphore(%arg13 : memref<!tpu.dma_semaphore, #tpu.memory_space<semaphore_mem>>)
      %dma_wait3A_87 = arith.constant 0 : i32
      %dma_wait3A_88 = tpu.memref_slice %arg7[%add3A_78, %dma_wait3A_87] : memref<40x128xi32, #tpu.memory_space<vmem>> -> memref<1x128xi32, #tpu.memory_space<vmem>>
      %dma_wait3A_89 = tpu.memref_squeeze %dma_wait3A_88 : memref<1x128xi32, #tpu.memory_space<vmem>> -> memref<128xi32, #tpu.memory_space<vmem>>
      %dma_wait3A_90 = arith.constant 0 : i32
      %dma_wait3A_91 = arith.constant 0 : i32
      %dma_wait3A_92 = tpu.memref_slice %arg2[%dma_wait3A_90, %dma_wait3A_91] : memref<10000x128xf32, #tpu.memory_space<hbm>> -> memref<10000x128xf32, #tpu.memory_space<hbm>>
      tpu.wait_indirect_dma semaphore(%arg12 : memref<!tpu.dma_semaphore, #tpu.memory_space<semaphore_mem>>) src(%dma_wait3A_92 : memref<10000x128xf32, #tpu.memory_space<hbm>>) dst(%arg9 : memref<128x128xf32, #tpu.memory_space<vmem>>)
      "tpu.region"() ({
        %run_scoped3A_109 = tpu.sem_alloc : memref<!tpu.dma_semaphore, #tpu.memory_space<semaphore_mem>>
        %dma_start3A_110 = arith.constant 0 : i32
        %dma_start3A_111 = tpu.memref_slice %arg8[%add3A_78, %dma_start3A_110] : memref<40x128xi32, #tpu.memory_space<vmem>> -> memref<1x128xi32, #tpu.memory_space<vmem>>
        %dma_start3A_112 = tpu.memref_squeeze %dma_start3A_111 : memref<1x128xi32, #tpu.memory_space<vmem>> -> memref<128xi32, #tpu.memory_space<vmem>>
        %dma_start3A_113 = arith.constant 0 : i32
        %dma_start3A_114 = arith.constant 0 : i32
        %dma_start3A_115 = tpu.memref_slice %arg11[%dma_start3A_113, %dma_start3A_114] : memref<10240x128xf32, #tpu.memory_space<vmem_shared>> -> memref<10240x128xf32, #tpu.memory_space<vmem_shared>>
        tpu.enqueue_indirect_dma source(%arg9 : memref<128x128xf32, #tpu.memory_space<vmem>>) target(%dma_start3A_115 : memref<10240x128xf32, #tpu.memory_space<vmem_shared>>) offsets(%dma_start3A_112 : memref<128xi32, #tpu.memory_space<vmem>>) semaphore(%run_scoped3A_109 : memref<!tpu.dma_semaphore, #tpu.memory_space<semaphore_mem>>) {add = true}
        %dma_wait3A_116 = arith.constant 0 : i32
        %dma_wait3A_117 = tpu.memref_slice %arg8[%add3A_78, %dma_wait3A_116] : memref<40x128xi32, #tpu.memory_space<vmem>> -> memref<1x128xi32, #tpu.memory_space<vmem>>
        %dma_wait3A_118 = tpu.memref_squeeze %dma_wait3A_117 : memref<1x128xi32, #tpu.memory_space<vmem>> -> memref<128xi32, #tpu.memory_space<vmem>>
        %dma_wait3A_119 = arith.constant 0 : i32
        %dma_wait3A_120 = arith.constant 0 : i32
        %dma_wait3A_121 = tpu.memref_slice %arg11[%dma_wait3A_119, %dma_wait3A_120] : memref<10240x128xf32, #tpu.memory_space<vmem_shared>> -> memref<10240x128xf32, #tpu.memory_space<vmem_shared>>
        tpu.wait_indirect_dma semaphore(%run_scoped3A_109 : memref<!tpu.dma_semaphore, #tpu.memory_space<semaphore_mem>>) src(%arg9 : memref<128x128xf32, #tpu.memory_space<vmem>>) dst(%dma_wait3A_121 : memref<10240x128xf32, #tpu.memory_space<vmem_shared>>)
        tpu.yield
      }) : () -> ()
      %add3A_93 = arith.constant 2 : i32
      %add3A_94 = arith.addi %add3A_78, %add3A_93 : i32
      %dma_start3A_95 = arith.constant 0 : i32
      %dma_start3A_96 = tpu.memref_slice %arg7[%add3A_94, %dma_start3A_95] : memref<40x128xi32, #tpu.memory_space<vmem>> -> memref<1x128xi32, #tpu.memory_space<vmem>>
      %dma_start3A_97 = tpu.memref_squeeze %dma_start3A_96 : memref<1x128xi32, #tpu.memory_space<vmem>> -> memref<128xi32, #tpu.memory_space<vmem>>
      %dma_start3A_98 = arith.constant 0 : i32
      %dma_start3A_99 = arith.constant 0 : i32
      %dma_start3A_100 = tpu.memref_slice %arg2[%dma_start3A_98, %dma_start3A_99] : memref<10000x128xf32, #tpu.memory_space<hbm>> -> memref<10000x128xf32, #tpu.memory_space<hbm>>
      tpu.enqueue_indirect_dma source(%dma_start3A_100 : memref<10000x128xf32, #tpu.memory_space<hbm>>) target(%arg9 : memref<128x128xf32, #tpu.memory_space<vmem>>) offsets(%dma_start3A_97 : memref<128xi32, #tpu.memory_space<vmem>>) semaphore(%arg12 : memref<!tpu.dma_semaphore, #tpu.memory_space<semaphore_mem>>)
      %add3A_101 = arith.constant 1 : i32
      %add3A_102 = arith.addi %add3A_78, %add3A_101 : i32
      %dma_wait3A_103 = arith.constant 0 : i32
      %dma_wait3A_104 = tpu.memref_slice %arg7[%add3A_102, %dma_wait3A_103] : memref<40x128xi32, #tpu.memory_space<vmem>> -> memref<1x128xi32, #tpu.memory_space<vmem>>
      %dma_wait3A_105 = tpu.memref_squeeze %dma_wait3A_104 : memref<1x128xi32, #tpu.memory_space<vmem>> -> memref<128xi32, #tpu.memory_space<vmem>>
      %dma_wait3A_106 = arith.constant 0 : i32
      %dma_wait3A_107 = arith.constant 0 : i32
      %dma_wait3A_108 = tpu.memref_slice %arg2[%dma_wait3A_106, %dma_wait3A_107] : memref<10000x128xf32, #tpu.memory_space<hbm>> -> memref<10000x128xf32, #tpu.memory_space<hbm>>
      tpu.wait_indirect_dma semaphore(%arg13 : memref<!tpu.dma_semaphore, #tpu.memory_space<semaphore_mem>>) src(%dma_wait3A_108 : memref<10000x128xf32, #tpu.memory_space<hbm>>) dst(%arg10 : memref<128x128xf32, #tpu.memory_space<vmem>>)
      "tpu.region"() ({
        %run_scoped3A_109 = tpu.sem_alloc : memref<!tpu.dma_semaphore, #tpu.memory_space<semaphore_mem>>
        %dma_start3A_110 = arith.constant 0 : i32
        %dma_start3A_111 = tpu.memref_slice %arg8[%add3A_102, %dma_start3A_110] : memref<40x128xi32, #tpu.memory_space<vmem>> -> memref<1x128xi32, #tpu.memory_space<vmem>>
        %dma_start3A_112 = tpu.memref_squeeze %dma_start3A_111 : memref<1x128xi32, #tpu.memory_space<vmem>> -> memref<128xi32, #tpu.memory_space<vmem>>
        %dma_start3A_113 = arith.constant 0 : i32
        %dma_start3A_114 = arith.constant 0 : i32
        %dma_start3A_115 = tpu.memref_slice %arg11[%dma_start3A_113, %dma_start3A_114] : memref<10240x128xf32, #tpu.memory_space<vmem_shared>> -> memref<10240x128xf32, #tpu.memory_space<vmem_shared>>
        tpu.enqueue_indirect_dma source(%arg10 : memref<128x128xf32, #tpu.memory_space<vmem>>) target(%dma_start3A_115 : memref<10240x128xf32, #tpu.memory_space<vmem_shared>>) offsets(%dma_start3A_112 : memref<128xi32, #tpu.memory_space<vmem>>) semaphore(%run_scoped3A_109 : memref<!tpu.dma_semaphore, #tpu.memory_space<semaphore_mem>>) {add = true}
        %dma_wait3A_116 = arith.constant 0 : i32
        %dma_wait3A_117 = tpu.memref_slice %arg8[%add3A_102, %dma_wait3A_116] : memref<40x128xi32, #tpu.memory_space<vmem>> -> memref<1x128xi32, #tpu.memory_space<vmem>>
        %dma_wait3A_118 = tpu.memref_squeeze %dma_wait3A_117 : memref<1x128xi32, #tpu.memory_space<vmem>> -> memref<128xi32, #tpu.memory_space<vmem>>
        %dma_wait3A_119 = arith.constant 0 : i32
        %dma_wait3A_120 = arith.constant 0 : i32
        %dma_wait3A_121 = tpu.memref_slice %arg11[%dma_wait3A_119, %dma_wait3A_120] : memref<10240x128xf32, #tpu.memory_space<vmem_shared>> -> memref<10240x128xf32, #tpu.memory_space<vmem_shared>>
        tpu.wait_indirect_dma semaphore(%run_scoped3A_109 : memref<!tpu.dma_semaphore, #tpu.memory_space<semaphore_mem>>) src(%arg10 : memref<128x128xf32, #tpu.memory_space<vmem>>) dst(%dma_wait3A_121 : memref<10240x128xf32, #tpu.memory_space<vmem_shared>>)
        tpu.yield
      }) : () -> ()
    }
    %scan3A_45 = arith.constant 19 : i32
    %dma_start3A_46 = arith.constant 39 : i32
    %dma_start3A_47 = arith.constant 0 : i32
    %dma_start3A_48 = tpu.memref_slice %arg7[%dma_start3A_46, %dma_start3A_47] : memref<40x128xi32, #tpu.memory_space<vmem>> -> memref<1x128xi32, #tpu.memory_space<vmem>>
    %dma_start3A_49 = tpu.memref_squeeze %dma_start3A_48 : memref<1x128xi32, #tpu.memory_space<vmem>> -> memref<128xi32, #tpu.memory_space<vmem>>
    %dma_start3A_50 = arith.constant 0 : i32
    %dma_start3A_51 = arith.constant 0 : i32
    %dma_start3A_52 = tpu.memref_slice %arg2[%dma_start3A_50, %dma_start3A_51] : memref<10000x128xf32, #tpu.memory_space<hbm>> -> memref<10000x128xf32, #tpu.memory_space<hbm>>
    tpu.enqueue_indirect_dma source(%dma_start3A_52 : memref<10000x128xf32, #tpu.memory_space<hbm>>) target(%arg10 : memref<128x128xf32, #tpu.memory_space<vmem>>) offsets(%dma_start3A_49 : memref<128xi32, #tpu.memory_space<vmem>>) semaphore(%arg13 : memref<!tpu.dma_semaphore, #tpu.memory_space<semaphore_mem>>)
    %dma_wait3A_53 = arith.constant 38 : i32
    %dma_wait3A_54 = arith.constant 0 : i32
    %dma_wait3A_55 = tpu.memref_slice %arg7[%dma_wait3A_53, %dma_wait3A_54] : memref<40x128xi32, #tpu.memory_space<vmem>> -> memref<1x128xi32, #tpu.memory_space<vmem>>
    %dma_wait3A_56 = tpu.memref_squeeze %dma_wait3A_55 : memref<1x128xi32, #tpu.memory_space<vmem>> -> memref<128xi32, #tpu.memory_space<vmem>>
    %dma_wait3A_57 = arith.constant 0 : i32
    %dma_wait3A_58 = arith.constant 0 : i32
    %dma_wait3A_59 = tpu.memref_slice %arg2[%dma_wait3A_57, %dma_wait3A_58] : memref<10000x128xf32, #tpu.memory_space<hbm>> -> memref<10000x128xf32, #tpu.memory_space<hbm>>
    tpu.wait_indirect_dma semaphore(%arg12 : memref<!tpu.dma_semaphore, #tpu.memory_space<semaphore_mem>>) src(%dma_wait3A_59 : memref<10000x128xf32, #tpu.memory_space<hbm>>) dst(%arg9 : memref<128x128xf32, #tpu.memory_space<vmem>>)
    %run_scoped3A_60 = arith.constant 38 : i32
    "tpu.region"() ({
      %run_scoped3A_74 = tpu.sem_alloc : memref<!tpu.dma_semaphore, #tpu.memory_space<semaphore_mem>>
      %dma_start3A_75 = arith.constant 0 : i32
      %dma_start3A_76 = tpu.memref_slice %arg8[%run_scoped3A_60, %dma_start3A_75] : memref<40x128xi32, #tpu.memory_space<vmem>> -> memref<1x128xi32, #tpu.memory_space<vmem>>
      %dma_start3A_77 = tpu.memref_squeeze %dma_start3A_76 : memref<1x128xi32, #tpu.memory_space<vmem>> -> memref<128xi32, #tpu.memory_space<vmem>>
      %dma_start3A_78 = arith.constant 0 : i32
      %dma_start3A_79 = arith.constant 0 : i32
      %dma_start3A_80 = tpu.memref_slice %arg11[%dma_start3A_78, %dma_start3A_79] : memref<10240x128xf32, #tpu.memory_space<vmem_shared>> -> memref<10240x128xf32, #tpu.memory_space<vmem_shared>>
      tpu.enqueue_indirect_dma source(%arg9 : memref<128x128xf32, #tpu.memory_space<vmem>>) target(%dma_start3A_80 : memref<10240x128xf32, #tpu.memory_space<vmem_shared>>) offsets(%dma_start3A_77 : memref<128xi32, #tpu.memory_space<vmem>>) semaphore(%run_scoped3A_74 : memref<!tpu.dma_semaphore, #tpu.memory_space<semaphore_mem>>) {add = true}
      %dma_wait3A_81 = arith.constant 0 : i32
      %dma_wait3A_82 = tpu.memref_slice %arg8[%run_scoped3A_60, %dma_wait3A_81] : memref<40x128xi32, #tpu.memory_space<vmem>> -> memref<1x128xi32, #tpu.memory_space<vmem>>
      %dma_wait3A_83 = tpu.memref_squeeze %dma_wait3A_82 : memref<1x128xi32, #tpu.memory_space<vmem>> -> memref<128xi32, #tpu.memory_space<vmem>>
      %dma_wait3A_84 = arith.constant 0 : i32
      %dma_wait3A_85 = arith.constant 0 : i32
      %dma_wait3A_86 = tpu.memref_slice %arg11[%dma_wait3A_84, %dma_wait3A_85] : memref<10240x128xf32, #tpu.memory_space<vmem_shared>> -> memref<10240x128xf32, #tpu.memory_space<vmem_shared>>
      tpu.wait_indirect_dma semaphore(%run_scoped3A_74 : memref<!tpu.dma_semaphore, #tpu.memory_space<semaphore_mem>>) src(%arg9 : memref<128x128xf32, #tpu.memory_space<vmem>>) dst(%dma_wait3A_86 : memref<10240x128xf32, #tpu.memory_space<vmem_shared>>)
      tpu.yield
    }) : () -> ()
    %dma_wait3A_61 = arith.constant 39 : i32
    %dma_wait3A_62 = arith.constant 0 : i32
    %dma_wait3A_63 = tpu.memref_slice %arg7[%dma_wait3A_61, %dma_wait3A_62] : memref<40x128xi32, #tpu.memory_space<vmem>> -> memref<1x128xi32, #tpu.memory_space<vmem>>
    %dma_wait3A_64 = tpu.memref_squeeze %dma_wait3A_63 : memref<1x128xi32, #tpu.memory_space<vmem>> -> memref<128xi32, #tpu.memory_space<vmem>>
    %dma_wait3A_65 = arith.constant 0 : i32
    %dma_wait3A_66 = arith.constant 0 : i32
    %dma_wait3A_67 = tpu.memref_slice %arg2[%dma_wait3A_65, %dma_wait3A_66] : memref<10000x128xf32, #tpu.memory_space<hbm>> -> memref<10000x128xf32, #tpu.memory_space<hbm>>
    tpu.wait_indirect_dma semaphore(%arg13 : memref<!tpu.dma_semaphore, #tpu.memory_space<semaphore_mem>>) src(%dma_wait3A_67 : memref<10000x128xf32, #tpu.memory_space<hbm>>) dst(%arg10 : memref<128x128xf32, #tpu.memory_space<vmem>>)
    %run_scoped3A_68 = arith.constant 39 : i32
    "tpu.region"() ({
      %run_scoped3A_74 = tpu.sem_alloc : memref<!tpu.dma_semaphore, #tpu.memory_space<semaphore_mem>>
      %dma_start3A_75 = arith.constant 0 : i32
      %dma_start3A_76 = tpu.memref_slice %arg8[%run_scoped3A_68, %dma_start3A_75] : memref<40x128xi32, #tpu.memory_space<vmem>> -> memref<1x128xi32, #tpu.memory_space<vmem>>
      %dma_start3A_77 = tpu.memref_squeeze %dma_start3A_76 : memref<1x128xi32, #tpu.memory_space<vmem>> -> memref<128xi32, #tpu.memory_space<vmem>>
      %dma_start3A_78 = arith.constant 0 : i32
      %dma_start3A_79 = arith.constant 0 : i32
      %dma_start3A_80 = tpu.memref_slice %arg11[%dma_start3A_78, %dma_start3A_79] : memref<10240x128xf32, #tpu.memory_space<vmem_shared>> -> memref<10240x128xf32, #tpu.memory_space<vmem_shared>>
      tpu.enqueue_indirect_dma source(%arg10 : memref<128x128xf32, #tpu.memory_space<vmem>>) target(%dma_start3A_80 : memref<10240x128xf32, #tpu.memory_space<vmem_shared>>) offsets(%dma_start3A_77 : memref<128xi32, #tpu.memory_space<vmem>>) semaphore(%run_scoped3A_74 : memref<!tpu.dma_semaphore, #tpu.memory_space<semaphore_mem>>) {add = true}
      %dma_wait3A_81 = arith.constant 0 : i32
      %dma_wait3A_82 = tpu.memref_slice %arg8[%run_scoped3A_68, %dma_wait3A_81] : memref<40x128xi32, #tpu.memory_space<vmem>> -> memref<1x128xi32, #tpu.memory_space<vmem>>
      %dma_wait3A_83 = tpu.memref_squeeze %dma_wait3A_82 : memref<1x128xi32, #tpu.memory_space<vmem>> -> memref<128xi32, #tpu.memory_space<vmem>>
      %dma_wait3A_84 = arith.constant 0 : i32
      %dma_wait3A_85 = arith.constant 0 : i32
      %dma_wait3A_86 = tpu.memref_slice %arg11[%dma_wait3A_84, %dma_wait3A_85] : memref<10240x128xf32, #tpu.memory_space<vmem_shared>> -> memref<10240x128xf32, #tpu.memory_space<vmem_shared>>
      tpu.wait_indirect_dma semaphore(%run_scoped3A_74 : memref<!tpu.dma_semaphore, #tpu.memory_space<semaphore_mem>>) src(%arg10 : memref<128x128xf32, #tpu.memory_space<vmem>>) dst(%dma_wait3A_86 : memref<10240x128xf32, #tpu.memory_space<vmem_shared>>)
      tpu.yield
    }) : () -> ()
    %barrier3A_69 = arith.constant 0 : index
    tpu.barrier barrier_id(%barrier3A_69)
    %mul3A_70 = arith.constant 640 : i32
    %mul3A_71 = arith.muli %arg1, %mul3A_70 : i32
    %mul3A_72 = arith.constant 640 : i32
    %mul3A_73 = arith.muli %arg1, %mul3A_72 : i32
    "tpu.region"() ({
      %run_scoped3A_74 = tpu.sem_alloc : memref<!tpu.dma_semaphore, #tpu.memory_space<semaphore_mem>>
      %dma_start3A_75 = arith.constant 0 : i32
      %dma_start3A_76 = tpu.memref_slice %arg6[%arg0, %mul3A_73, %dma_start3A_75] : memref<2x10240x128xf32, #tpu.memory_space<hbm>> -> memref<1x640x128xf32, #tpu.memory_space<hbm>>
      %dma_start3A_77 = tpu.memref_squeeze %dma_start3A_76 : memref<1x640x128xf32, #tpu.memory_space<hbm>> -> memref<640x128xf32, #tpu.memory_space<hbm>>
      %dma_start3A_78 = arith.constant 0 : i32
      %dma_start3A_79 = tpu.memref_slice %arg11[%mul3A_71, %dma_start3A_78] : memref<10240x128xf32, #tpu.memory_space<vmem_shared>> -> memref<640x128xf32, #tpu.memory_space<vmem_shared>>
      tpu.enqueue_dma source(%dma_start3A_79 : memref<640x128xf32, #tpu.memory_space<vmem_shared>>) target(%dma_start3A_77 : memref<640x128xf32, #tpu.memory_space<hbm>>) target_semaphore(%run_scoped3A_74 : memref<!tpu.dma_semaphore, #tpu.memory_space<semaphore_mem>>)
      %dma_wait3A_80 = arith.constant 0 : i32
      %dma_wait3A_81 = tpu.memref_slice %arg6[%arg0, %mul3A_73, %dma_wait3A_80] : memref<2x10240x128xf32, #tpu.memory_space<hbm>> -> memref<1x640x128xf32, #tpu.memory_space<hbm>>
      %dma_wait3A_82 = tpu.memref_squeeze %dma_wait3A_81 : memref<1x640x128xf32, #tpu.memory_space<hbm>> -> memref<640x128xf32, #tpu.memory_space<hbm>>
      %dma_wait3A_83 = arith.constant 0 : i32
      %dma_wait3A_84 = tpu.memref_slice %arg11[%mul3A_71, %dma_wait3A_83] : memref<10240x128xf32, #tpu.memory_space<vmem_shared>> -> memref<640x128xf32, #tpu.memory_space<vmem_shared>>
      tpu.wait_dma2 semaphore(%run_scoped3A_74 : memref<!tpu.dma_semaphore, #tpu.memory_space<semaphore_mem>>) src(%dma_wait3A_84 : memref<640x128xf32, #tpu.memory_space<vmem_shared>>) dst(%dma_wait3A_82 : memref<640x128xf32, #tpu.memory_space<hbm>>)
      tpu.yield
    }) : () -> ()
    return
  }
}

#map = affine_map<(d0, d1) -> (0, 0)>
#map1 = affine_map<(d0, d1) -> (0, 0, 0)>
module attributes {stable_mosaic.version = 14 : i64} {
  func.func @_sc_agg(%arg0: i32, %arg1: i32, %arg2: memref<10000x128xf32, #tpu.memory_space<hbm>>, %arg3: memref<32x80x128xi32, #tpu.memory_space<hbm>>, %arg4: memref<32x80x128xi32, #tpu.memory_space<hbm>>, %arg5: memref<640x128xf32, #tpu.memory_space<hbm>>, %arg6: memref<2x10240x128xf32, #tpu.memory_space<hbm>>, %arg7: memref<40x128xi32, #tpu.memory_space<vmem>>, %arg8: memref<40x128xi32, #tpu.memory_space<vmem>>, %arg9: memref<128x128xf32, #tpu.memory_space<vmem>>, %arg10: memref<128x128xf32, #tpu.memory_space<vmem>>, %arg11: memref<10240x128xf32, #tpu.memory_space<vmem_shared>>, %arg12: memref<!tpu.dma_semaphore, #tpu.memory_space<semaphore_mem>>, %arg13: memref<!tpu.dma_semaphore, #tpu.memory_space<semaphore_mem>>) attributes {dimension_semantics = [#tpu.dimension_semantics<core_parallel>, #tpu.dimension_semantics<subcore_parallel>], iteration_bounds = array<i64: 2, 16>, scalar_prefetch = 0 : i64, scratch_operands = 7 : i64, tpu.core_type = #tpu.core_type<sc_vector_subcore>, window_params = [{transform_indices = #map}, {transform_indices = #map1}, {transform_indices = #map1}, {transform_indices = #map}, {transform_indices = #map1}]} {
    %mul3A = arith.constant 2 : i32
    %mul3A_0 = arith.muli %arg1, %mul3A : i32
    %add3A = arith.addi %mul3A_0, %arg0 : i32
    %mul3A_1 = arith.constant 640 : i32
    %mul3A_2 = arith.muli %arg1, %mul3A_1 : i32
    "tpu.region"() ({
      %run_scoped3A_74 = tpu.sem_alloc : memref<!tpu.dma_semaphore, #tpu.memory_space<semaphore_mem>>
      %dma_start3A_75 = arith.constant 0 : i32
      %dma_start3A_76 = tpu.memref_slice %arg11[%mul3A_2, %dma_start3A_75] : memref<10240x128xf32, #tpu.memory_space<vmem_shared>> -> memref<640x128xf32, #tpu.memory_space<vmem_shared>>
      tpu.enqueue_dma source(%arg5 : memref<640x128xf32, #tpu.memory_space<hbm>>) target(%dma_start3A_76 : memref<640x128xf32, #tpu.memory_space<vmem_shared>>) target_semaphore(%run_scoped3A_74 : memref<!tpu.dma_semaphore, #tpu.memory_space<semaphore_mem>>)
      %dma_wait3A_77 = arith.constant 0 : i32
      %dma_wait3A_78 = tpu.memref_slice %arg11[%mul3A_2, %dma_wait3A_77] : memref<10240x128xf32, #tpu.memory_space<vmem_shared>> -> memref<640x128xf32, #tpu.memory_space<vmem_shared>>
      tpu.wait_dma2 semaphore(%run_scoped3A_74 : memref<!tpu.dma_semaphore, #tpu.memory_space<semaphore_mem>>) src(%arg5 : memref<640x128xf32, #tpu.memory_space<hbm>>) dst(%dma_wait3A_78 : memref<640x128xf32, #tpu.memory_space<vmem_shared>>)
      tpu.yield
    }) : () -> ()
    %barrier3A = arith.constant 0 : index
    tpu.barrier barrier_id(%barrier3A)
    "tpu.region"() ({
      %run_scoped3A_74 = tpu.sem_alloc : memref<!tpu.dma_semaphore, #tpu.memory_space<semaphore_mem>>
      %dma_start3A_75 = arith.constant 0 : i32
      %dma_start3A_76 = arith.constant 0 : i32
      %dma_start3A_77 = tpu.memref_slice %arg3[%add3A, %dma_start3A_75, %dma_start3A_76] : memref<32x80x128xi32, #tpu.memory_space<hbm>> -> memref<1x40x128xi32, #tpu.memory_space<hbm>>
      %dma_start3A_78 = tpu.memref_squeeze %dma_start3A_77 : memref<1x40x128xi32, #tpu.memory_space<hbm>> -> memref<40x128xi32, #tpu.memory_space<hbm>>
      %dma_start3A_79 = arith.constant 0 : i32
      %dma_start3A_80 = arith.constant 0 : i32
      %dma_start3A_81 = tpu.memref_slice %arg3[%add3A, %dma_start3A_79, %dma_start3A_80] : memref<32x80x128xi32, #tpu.memory_space<hbm>> -> memref<1x40x128xi32, #tpu.memory_space<hbm>>
      %dma_start3A_82 = tpu.memref_squeeze %dma_start3A_81 : memref<1x40x128xi32, #tpu.memory_space<hbm>> -> memref<40x128xi32, #tpu.memory_space<hbm>>
      tpu.enqueue_dma source(%dma_start3A_82 : memref<40x128xi32, #tpu.memory_space<hbm>>) target(%arg7 : memref<40x128xi32, #tpu.memory_space<vmem>>) target_semaphore(%run_scoped3A_74 : memref<!tpu.dma_semaphore, #tpu.memory_space<semaphore_mem>>)
      %dma_wait3A_83 = arith.constant 0 : i32
      %dma_wait3A_84 = arith.constant 0 : i32
      %dma_wait3A_85 = tpu.memref_slice %arg3[%add3A, %dma_wait3A_83, %dma_wait3A_84] : memref<32x80x128xi32, #tpu.memory_space<hbm>> -> memref<1x40x128xi32, #tpu.memory_space<hbm>>
      %dma_wait3A_86 = tpu.memref_squeeze %dma_wait3A_85 : memref<1x40x128xi32, #tpu.memory_space<hbm>> -> memref<40x128xi32, #tpu.memory_space<hbm>>
      %dma_wait3A_87 = arith.constant 0 : i32
      %dma_wait3A_88 = arith.constant 0 : i32
      %dma_wait3A_89 = tpu.memref_slice %arg3[%add3A, %dma_wait3A_87, %dma_wait3A_88] : memref<32x80x128xi32, #tpu.memory_space<hbm>> -> memref<1x40x128xi32, #tpu.memory_space<hbm>>
      %dma_wait3A_90 = tpu.memref_squeeze %dma_wait3A_89 : memref<1x40x128xi32, #tpu.memory_space<hbm>> -> memref<40x128xi32, #tpu.memory_space<hbm>>
      tpu.wait_dma2 semaphore(%run_scoped3A_74 : memref<!tpu.dma_semaphore, #tpu.memory_space<semaphore_mem>>) src(%dma_wait3A_90 : memref<40x128xi32, #tpu.memory_space<hbm>>) dst(%arg7 : memref<40x128xi32, #tpu.memory_space<vmem>>)
      tpu.yield
    }) : () -> ()
    "tpu.region"() ({
      %run_scoped3A_74 = tpu.sem_alloc : memref<!tpu.dma_semaphore, #tpu.memory_space<semaphore_mem>>
      %dma_start3A_75 = arith.constant 0 : i32
      %dma_start3A_76 = arith.constant 0 : i32
      %dma_start3A_77 = tpu.memref_slice %arg4[%add3A, %dma_start3A_75, %dma_start3A_76] : memref<32x80x128xi32, #tpu.memory_space<hbm>> -> memref<1x40x128xi32, #tpu.memory_space<hbm>>
      %dma_start3A_78 = tpu.memref_squeeze %dma_start3A_77 : memref<1x40x128xi32, #tpu.memory_space<hbm>> -> memref<40x128xi32, #tpu.memory_space<hbm>>
      %dma_start3A_79 = arith.constant 0 : i32
      %dma_start3A_80 = arith.constant 0 : i32
      %dma_start3A_81 = tpu.memref_slice %arg4[%add3A, %dma_start3A_79, %dma_start3A_80] : memref<32x80x128xi32, #tpu.memory_space<hbm>> -> memref<1x40x128xi32, #tpu.memory_space<hbm>>
      %dma_start3A_82 = tpu.memref_squeeze %dma_start3A_81 : memref<1x40x128xi32, #tpu.memory_space<hbm>> -> memref<40x128xi32, #tpu.memory_space<hbm>>
      tpu.enqueue_dma source(%dma_start3A_82 : memref<40x128xi32, #tpu.memory_space<hbm>>) target(%arg8 : memref<40x128xi32, #tpu.memory_space<vmem>>) target_semaphore(%run_scoped3A_74 : memref<!tpu.dma_semaphore, #tpu.memory_space<semaphore_mem>>)
      %dma_wait3A_83 = arith.constant 0 : i32
      %dma_wait3A_84 = arith.constant 0 : i32
      %dma_wait3A_85 = tpu.memref_slice %arg4[%add3A, %dma_wait3A_83, %dma_wait3A_84] : memref<32x80x128xi32, #tpu.memory_space<hbm>> -> memref<1x40x128xi32, #tpu.memory_space<hbm>>
      %dma_wait3A_86 = tpu.memref_squeeze %dma_wait3A_85 : memref<1x40x128xi32, #tpu.memory_space<hbm>> -> memref<40x128xi32, #tpu.memory_space<hbm>>
      %dma_wait3A_87 = arith.constant 0 : i32
      %dma_wait3A_88 = arith.constant 0 : i32
      %dma_wait3A_89 = tpu.memref_slice %arg4[%add3A, %dma_wait3A_87, %dma_wait3A_88] : memref<32x80x128xi32, #tpu.memory_space<hbm>> -> memref<1x40x128xi32, #tpu.memory_space<hbm>>
      %dma_wait3A_90 = tpu.memref_squeeze %dma_wait3A_89 : memref<1x40x128xi32, #tpu.memory_space<hbm>> -> memref<40x128xi32, #tpu.memory_space<hbm>>
      tpu.wait_dma2 semaphore(%run_scoped3A_74 : memref<!tpu.dma_semaphore, #tpu.memory_space<semaphore_mem>>) src(%dma_wait3A_90 : memref<40x128xi32, #tpu.memory_space<hbm>>) dst(%arg8 : memref<40x128xi32, #tpu.memory_space<vmem>>)
      tpu.yield
    }) : () -> ()
    %dma_start3A = arith.constant 0 : i32
    %dma_start3A_3 = arith.constant 0 : i32
    %dma_start3A_4 = tpu.memref_slice %arg7[%dma_start3A, %dma_start3A_3] : memref<40x128xi32, #tpu.memory_space<vmem>> -> memref<1x128xi32, #tpu.memory_space<vmem>>
    %dma_start3A_5 = tpu.memref_squeeze %dma_start3A_4 : memref<1x128xi32, #tpu.memory_space<vmem>> -> memref<128xi32, #tpu.memory_space<vmem>>
    %dma_start3A_6 = arith.constant 0 : i32
    %dma_start3A_7 = arith.constant 0 : i32
    %dma_start3A_8 = tpu.memref_slice %arg2[%dma_start3A_6, %dma_start3A_7] : memref<10000x128xf32, #tpu.memory_space<hbm>> -> memref<10000x128xf32, #tpu.memory_space<hbm>>
    tpu.enqueue_indirect_dma source(%dma_start3A_8 : memref<10000x128xf32, #tpu.memory_space<hbm>>) target(%arg9 : memref<128x128xf32, #tpu.memory_space<vmem>>) offsets(%dma_start3A_5 : memref<128xi32, #tpu.memory_space<vmem>>) semaphore(%arg12 : memref<!tpu.dma_semaphore, #tpu.memory_space<semaphore_mem>>)
    %scan3A = arith.constant 0 : i32
    %scan3A_9 = arith.constant 19 : i32
    %scan3A_10 = arith.addi %scan3A, %scan3A_9 : i32
    %scan3A_11 = arith.constant 1 : i32
    scf.for %scan3A_74 = %scan3A to %scan3A_10 step %scan3A_11  : i32 {
      %mul3A_75 = arith.constant 2 : i32
      %mul3A_76 = arith.muli %scan3A_74, %mul3A_75 : i32
      %add3A_77 = arith.constant 0 : i32
      %add3A_78 = arith.addi %add3A_77, %mul3A_76 : i32
      %add3A_79 = arith.constant 1 : i32
      %add3A_80 = arith.addi %add3A_78, %add3A_79 : i32
      %dma_start3A_81 = arith.constant 0 : i32
      %dma_start3A_82 = tpu.memref_slice %arg7[%add3A_80, %dma_start3A_81] : memref<40x128xi32, #tpu.memory_space<vmem>> -> memref<1x128xi32, #tpu.memory_space<vmem>>
      %dma_start3A_83 = tpu.memref_squeeze %dma_start3A_82 : memref<1x128xi32, #tpu.memory_space<vmem>> -> memref<128xi32, #tpu.memory_space<vmem>>
      %dma_start3A_84 = arith.constant 0 : i32
      %dma_start3A_85 = arith.constant 0 : i32
      %dma_start3A_86 = tpu.memref_slice %arg2[%dma_start3A_84, %dma_start3A_85] : memref<10000x128xf32, #tpu.memory_space<hbm>> -> memref<10000x128xf32, #tpu.memory_space<hbm>>
      tpu.enqueue_indirect_dma source(%dma_start3A_86 : memref<10000x128xf32, #tpu.memory_space<hbm>>) target(%arg10 : memref<128x128xf32, #tpu.memory_space<vmem>>) offsets(%dma_start3A_83 : memref<128xi32, #tpu.memory_space<vmem>>) semaphore(%arg13 : memref<!tpu.dma_semaphore, #tpu.memory_space<semaphore_mem>>)
      %dma_wait3A_87 = arith.constant 0 : i32
      %dma_wait3A_88 = tpu.memref_slice %arg7[%add3A_78, %dma_wait3A_87] : memref<40x128xi32, #tpu.memory_space<vmem>> -> memref<1x128xi32, #tpu.memory_space<vmem>>
      %dma_wait3A_89 = tpu.memref_squeeze %dma_wait3A_88 : memref<1x128xi32, #tpu.memory_space<vmem>> -> memref<128xi32, #tpu.memory_space<vmem>>
      %dma_wait3A_90 = arith.constant 0 : i32
      %dma_wait3A_91 = arith.constant 0 : i32
      %dma_wait3A_92 = tpu.memref_slice %arg2[%dma_wait3A_90, %dma_wait3A_91] : memref<10000x128xf32, #tpu.memory_space<hbm>> -> memref<10000x128xf32, #tpu.memory_space<hbm>>
      tpu.wait_indirect_dma semaphore(%arg12 : memref<!tpu.dma_semaphore, #tpu.memory_space<semaphore_mem>>) src(%dma_wait3A_92 : memref<10000x128xf32, #tpu.memory_space<hbm>>) dst(%arg9 : memref<128x128xf32, #tpu.memory_space<vmem>>)
      "tpu.region"() ({
        %run_scoped3A_109 = tpu.sem_alloc : memref<!tpu.dma_semaphore, #tpu.memory_space<semaphore_mem>>
        %dma_start3A_110 = arith.constant 0 : i32
        %dma_start3A_111 = tpu.memref_slice %arg8[%add3A_78, %dma_start3A_110] : memref<40x128xi32, #tpu.memory_space<vmem>> -> memref<1x128xi32, #tpu.memory_space<vmem>>
        %dma_start3A_112 = tpu.memref_squeeze %dma_start3A_111 : memref<1x128xi32, #tpu.memory_space<vmem>> -> memref<128xi32, #tpu.memory_space<vmem>>
        %dma_start3A_113 = arith.constant 0 : i32
        %dma_start3A_114 = arith.constant 0 : i32
        %dma_start3A_115 = tpu.memref_slice %arg11[%dma_start3A_113, %dma_start3A_114] : memref<10240x128xf32, #tpu.memory_space<vmem_shared>> -> memref<10240x128xf32, #tpu.memory_space<vmem_shared>>
        tpu.enqueue_indirect_dma source(%arg9 : memref<128x128xf32, #tpu.memory_space<vmem>>) target(%dma_start3A_115 : memref<10240x128xf32, #tpu.memory_space<vmem_shared>>) offsets(%dma_start3A_112 : memref<128xi32, #tpu.memory_space<vmem>>) semaphore(%run_scoped3A_109 : memref<!tpu.dma_semaphore, #tpu.memory_space<semaphore_mem>>) {add = true}
        %dma_wait3A_116 = arith.constant 0 : i32
        %dma_wait3A_117 = tpu.memref_slice %arg8[%add3A_78, %dma_wait3A_116] : memref<40x128xi32, #tpu.memory_space<vmem>> -> memref<1x128xi32, #tpu.memory_space<vmem>>
        %dma_wait3A_118 = tpu.memref_squeeze %dma_wait3A_117 : memref<1x128xi32, #tpu.memory_space<vmem>> -> memref<128xi32, #tpu.memory_space<vmem>>
        %dma_wait3A_119 = arith.constant 0 : i32
        %dma_wait3A_120 = arith.constant 0 : i32
        %dma_wait3A_121 = tpu.memref_slice %arg11[%dma_wait3A_119, %dma_wait3A_120] : memref<10240x128xf32, #tpu.memory_space<vmem_shared>> -> memref<10240x128xf32, #tpu.memory_space<vmem_shared>>
        tpu.wait_indirect_dma semaphore(%run_scoped3A_109 : memref<!tpu.dma_semaphore, #tpu.memory_space<semaphore_mem>>) src(%arg9 : memref<128x128xf32, #tpu.memory_space<vmem>>) dst(%dma_wait3A_121 : memref<10240x128xf32, #tpu.memory_space<vmem_shared>>)
        tpu.yield
      }) : () -> ()
      %add3A_93 = arith.constant 2 : i32
      %add3A_94 = arith.addi %add3A_78, %add3A_93 : i32
      %dma_start3A_95 = arith.constant 0 : i32
      %dma_start3A_96 = tpu.memref_slice %arg7[%add3A_94, %dma_start3A_95] : memref<40x128xi32, #tpu.memory_space<vmem>> -> memref<1x128xi32, #tpu.memory_space<vmem>>
      %dma_start3A_97 = tpu.memref_squeeze %dma_start3A_96 : memref<1x128xi32, #tpu.memory_space<vmem>> -> memref<128xi32, #tpu.memory_space<vmem>>
      %dma_start3A_98 = arith.constant 0 : i32
      %dma_start3A_99 = arith.constant 0 : i32
      %dma_start3A_100 = tpu.memref_slice %arg2[%dma_start3A_98, %dma_start3A_99] : memref<10000x128xf32, #tpu.memory_space<hbm>> -> memref<10000x128xf32, #tpu.memory_space<hbm>>
      tpu.enqueue_indirect_dma source(%dma_start3A_100 : memref<10000x128xf32, #tpu.memory_space<hbm>>) target(%arg9 : memref<128x128xf32, #tpu.memory_space<vmem>>) offsets(%dma_start3A_97 : memref<128xi32, #tpu.memory_space<vmem>>) semaphore(%arg12 : memref<!tpu.dma_semaphore, #tpu.memory_space<semaphore_mem>>)
      %add3A_101 = arith.constant 1 : i32
      %add3A_102 = arith.addi %add3A_78, %add3A_101 : i32
      %dma_wait3A_103 = arith.constant 0 : i32
      %dma_wait3A_104 = tpu.memref_slice %arg7[%add3A_102, %dma_wait3A_103] : memref<40x128xi32, #tpu.memory_space<vmem>> -> memref<1x128xi32, #tpu.memory_space<vmem>>
      %dma_wait3A_105 = tpu.memref_squeeze %dma_wait3A_104 : memref<1x128xi32, #tpu.memory_space<vmem>> -> memref<128xi32, #tpu.memory_space<vmem>>
      %dma_wait3A_106 = arith.constant 0 : i32
      %dma_wait3A_107 = arith.constant 0 : i32
      %dma_wait3A_108 = tpu.memref_slice %arg2[%dma_wait3A_106, %dma_wait3A_107] : memref<10000x128xf32, #tpu.memory_space<hbm>> -> memref<10000x128xf32, #tpu.memory_space<hbm>>
      tpu.wait_indirect_dma semaphore(%arg13 : memref<!tpu.dma_semaphore, #tpu.memory_space<semaphore_mem>>) src(%dma_wait3A_108 : memref<10000x128xf32, #tpu.memory_space<hbm>>) dst(%arg10 : memref<128x128xf32, #tpu.memory_space<vmem>>)
      "tpu.region"() ({
        %run_scoped3A_109 = tpu.sem_alloc : memref<!tpu.dma_semaphore, #tpu.memory_space<semaphore_mem>>
        %dma_start3A_110 = arith.constant 0 : i32
        %dma_start3A_111 = tpu.memref_slice %arg8[%add3A_102, %dma_start3A_110] : memref<40x128xi32, #tpu.memory_space<vmem>> -> memref<1x128xi32, #tpu.memory_space<vmem>>
        %dma_start3A_112 = tpu.memref_squeeze %dma_start3A_111 : memref<1x128xi32, #tpu.memory_space<vmem>> -> memref<128xi32, #tpu.memory_space<vmem>>
        %dma_start3A_113 = arith.constant 0 : i32
        %dma_start3A_114 = arith.constant 0 : i32
        %dma_start3A_115 = tpu.memref_slice %arg11[%dma_start3A_113, %dma_start3A_114] : memref<10240x128xf32, #tpu.memory_space<vmem_shared>> -> memref<10240x128xf32, #tpu.memory_space<vmem_shared>>
        tpu.enqueue_indirect_dma source(%arg10 : memref<128x128xf32, #tpu.memory_space<vmem>>) target(%dma_start3A_115 : memref<10240x128xf32, #tpu.memory_space<vmem_shared>>) offsets(%dma_start3A_112 : memref<128xi32, #tpu.memory_space<vmem>>) semaphore(%run_scoped3A_109 : memref<!tpu.dma_semaphore, #tpu.memory_space<semaphore_mem>>) {add = true}
        %dma_wait3A_116 = arith.constant 0 : i32
        %dma_wait3A_117 = tpu.memref_slice %arg8[%add3A_102, %dma_wait3A_116] : memref<40x128xi32, #tpu.memory_space<vmem>> -> memref<1x128xi32, #tpu.memory_space<vmem>>
        %dma_wait3A_118 = tpu.memref_squeeze %dma_wait3A_117 : memref<1x128xi32, #tpu.memory_space<vmem>> -> memref<128xi32, #tpu.memory_space<vmem>>
        %dma_wait3A_119 = arith.constant 0 : i32
        %dma_wait3A_120 = arith.constant 0 : i32
        %dma_wait3A_121 = tpu.memref_slice %arg11[%dma_wait3A_119, %dma_wait3A_120] : memref<10240x128xf32, #tpu.memory_space<vmem_shared>> -> memref<10240x128xf32, #tpu.memory_space<vmem_shared>>
        tpu.wait_indirect_dma semaphore(%run_scoped3A_109 : memref<!tpu.dma_semaphore, #tpu.memory_space<semaphore_mem>>) src(%arg10 : memref<128x128xf32, #tpu.memory_space<vmem>>) dst(%dma_wait3A_121 : memref<10240x128xf32, #tpu.memory_space<vmem_shared>>)
        tpu.yield
      }) : () -> ()
    }
    %scan3A_12 = arith.constant 19 : i32
    %dma_start3A_13 = arith.constant 39 : i32
    %dma_start3A_14 = arith.constant 0 : i32
    %dma_start3A_15 = tpu.memref_slice %arg7[%dma_start3A_13, %dma_start3A_14] : memref<40x128xi32, #tpu.memory_space<vmem>> -> memref<1x128xi32, #tpu.memory_space<vmem>>
    %dma_start3A_16 = tpu.memref_squeeze %dma_start3A_15 : memref<1x128xi32, #tpu.memory_space<vmem>> -> memref<128xi32, #tpu.memory_space<vmem>>
    %dma_start3A_17 = arith.constant 0 : i32
    %dma_start3A_18 = arith.constant 0 : i32
    %dma_start3A_19 = tpu.memref_slice %arg2[%dma_start3A_17, %dma_start3A_18] : memref<10000x128xf32, #tpu.memory_space<hbm>> -> memref<10000x128xf32, #tpu.memory_space<hbm>>
    tpu.enqueue_indirect_dma source(%dma_start3A_19 : memref<10000x128xf32, #tpu.memory_space<hbm>>) target(%arg10 : memref<128x128xf32, #tpu.memory_space<vmem>>) offsets(%dma_start3A_16 : memref<128xi32, #tpu.memory_space<vmem>>) semaphore(%arg13 : memref<!tpu.dma_semaphore, #tpu.memory_space<semaphore_mem>>)
    %dma_wait3A = arith.constant 38 : i32
    %dma_wait3A_20 = arith.constant 0 : i32
    %dma_wait3A_21 = tpu.memref_slice %arg7[%dma_wait3A, %dma_wait3A_20] : memref<40x128xi32, #tpu.memory_space<vmem>> -> memref<1x128xi32, #tpu.memory_space<vmem>>
    %dma_wait3A_22 = tpu.memref_squeeze %dma_wait3A_21 : memref<1x128xi32, #tpu.memory_space<vmem>> -> memref<128xi32, #tpu.memory_space<vmem>>
    %dma_wait3A_23 = arith.constant 0 : i32
    %dma_wait3A_24 = arith.constant 0 : i32
    %dma_wait3A_25 = tpu.memref_slice %arg2[%dma_wait3A_23, %dma_wait3A_24] : memref<10000x128xf32, #tpu.memory_space<hbm>> -> memref<10000x128xf32, #tpu.memory_space<hbm>>
    tpu.wait_indirect_dma semaphore(%arg12 : memref<!tpu.dma_semaphore, #tpu.memory_space<semaphore_mem>>) src(%dma_wait3A_25 : memref<10000x128xf32, #tpu.memory_space<hbm>>) dst(%arg9 : memref<128x128xf32, #tpu.memory_space<vmem>>)
    %run_scoped3A = arith.constant 38 : i32
    "tpu.region"() ({
      %run_scoped3A_74 = tpu.sem_alloc : memref<!tpu.dma_semaphore, #tpu.memory_space<semaphore_mem>>
      %dma_start3A_75 = arith.constant 0 : i32
      %dma_start3A_76 = tpu.memref_slice %arg8[%run_scoped3A, %dma_start3A_75] : memref<40x128xi32, #tpu.memory_space<vmem>> -> memref<1x128xi32, #tpu.memory_space<vmem>>
      %dma_start3A_77 = tpu.memref_squeeze %dma_start3A_76 : memref<1x128xi32, #tpu.memory_space<vmem>> -> memref<128xi32, #tpu.memory_space<vmem>>
      %dma_start3A_78 = arith.constant 0 : i32
      %dma_start3A_79 = arith.constant 0 : i32
      %dma_start3A_80 = tpu.memref_slice %arg11[%dma_start3A_78, %dma_start3A_79] : memref<10240x128xf32, #tpu.memory_space<vmem_shared>> -> memref<10240x128xf32, #tpu.memory_space<vmem_shared>>
      tpu.enqueue_indirect_dma source(%arg9 : memref<128x128xf32, #tpu.memory_space<vmem>>) target(%dma_start3A_80 : memref<10240x128xf32, #tpu.memory_space<vmem_shared>>) offsets(%dma_start3A_77 : memref<128xi32, #tpu.memory_space<vmem>>) semaphore(%run_scoped3A_74 : memref<!tpu.dma_semaphore, #tpu.memory_space<semaphore_mem>>) {add = true}
      %dma_wait3A_81 = arith.constant 0 : i32
      %dma_wait3A_82 = tpu.memref_slice %arg8[%run_scoped3A, %dma_wait3A_81] : memref<40x128xi32, #tpu.memory_space<vmem>> -> memref<1x128xi32, #tpu.memory_space<vmem>>
      %dma_wait3A_83 = tpu.memref_squeeze %dma_wait3A_82 : memref<1x128xi32, #tpu.memory_space<vmem>> -> memref<128xi32, #tpu.memory_space<vmem>>
      %dma_wait3A_84 = arith.constant 0 : i32
      %dma_wait3A_85 = arith.constant 0 : i32
      %dma_wait3A_86 = tpu.memref_slice %arg11[%dma_wait3A_84, %dma_wait3A_85] : memref<10240x128xf32, #tpu.memory_space<vmem_shared>> -> memref<10240x128xf32, #tpu.memory_space<vmem_shared>>
      tpu.wait_indirect_dma semaphore(%run_scoped3A_74 : memref<!tpu.dma_semaphore, #tpu.memory_space<semaphore_mem>>) src(%arg9 : memref<128x128xf32, #tpu.memory_space<vmem>>) dst(%dma_wait3A_86 : memref<10240x128xf32, #tpu.memory_space<vmem_shared>>)
      tpu.yield
    }) : () -> ()
    %dma_wait3A_26 = arith.constant 39 : i32
    %dma_wait3A_27 = arith.constant 0 : i32
    %dma_wait3A_28 = tpu.memref_slice %arg7[%dma_wait3A_26, %dma_wait3A_27] : memref<40x128xi32, #tpu.memory_space<vmem>> -> memref<1x128xi32, #tpu.memory_space<vmem>>
    %dma_wait3A_29 = tpu.memref_squeeze %dma_wait3A_28 : memref<1x128xi32, #tpu.memory_space<vmem>> -> memref<128xi32, #tpu.memory_space<vmem>>
    %dma_wait3A_30 = arith.constant 0 : i32
    %dma_wait3A_31 = arith.constant 0 : i32
    %dma_wait3A_32 = tpu.memref_slice %arg2[%dma_wait3A_30, %dma_wait3A_31] : memref<10000x128xf32, #tpu.memory_space<hbm>> -> memref<10000x128xf32, #tpu.memory_space<hbm>>
    tpu.wait_indirect_dma semaphore(%arg13 : memref<!tpu.dma_semaphore, #tpu.memory_space<semaphore_mem>>) src(%dma_wait3A_32 : memref<10000x128xf32, #tpu.memory_space<hbm>>) dst(%arg10 : memref<128x128xf32, #tpu.memory_space<vmem>>)
    %run_scoped3A_33 = arith.constant 39 : i32
    "tpu.region"() ({
      %run_scoped3A_74 = tpu.sem_alloc : memref<!tpu.dma_semaphore, #tpu.memory_space<semaphore_mem>>
      %dma_start3A_75 = arith.constant 0 : i32
      %dma_start3A_76 = tpu.memref_slice %arg8[%run_scoped3A_33, %dma_start3A_75] : memref<40x128xi32, #tpu.memory_space<vmem>> -> memref<1x128xi32, #tpu.memory_space<vmem>>
      %dma_start3A_77 = tpu.memref_squeeze %dma_start3A_76 : memref<1x128xi32, #tpu.memory_space<vmem>> -> memref<128xi32, #tpu.memory_space<vmem>>
      %dma_start3A_78 = arith.constant 0 : i32
      %dma_start3A_79 = arith.constant 0 : i32
      %dma_start3A_80 = tpu.memref_slice %arg11[%dma_start3A_78, %dma_start3A_79] : memref<10240x128xf32, #tpu.memory_space<vmem_shared>> -> memref<10240x128xf32, #tpu.memory_space<vmem_shared>>
      tpu.enqueue_indirect_dma source(%arg10 : memref<128x128xf32, #tpu.memory_space<vmem>>) target(%dma_start3A_80 : memref<10240x128xf32, #tpu.memory_space<vmem_shared>>) offsets(%dma_start3A_77 : memref<128xi32, #tpu.memory_space<vmem>>) semaphore(%run_scoped3A_74 : memref<!tpu.dma_semaphore, #tpu.memory_space<semaphore_mem>>) {add = true}
      %dma_wait3A_81 = arith.constant 0 : i32
      %dma_wait3A_82 = tpu.memref_slice %arg8[%run_scoped3A_33, %dma_wait3A_81] : memref<40x128xi32, #tpu.memory_space<vmem>> -> memref<1x128xi32, #tpu.memory_space<vmem>>
      %dma_wait3A_83 = tpu.memref_squeeze %dma_wait3A_82 : memref<1x128xi32, #tpu.memory_space<vmem>> -> memref<128xi32, #tpu.memory_space<vmem>>
      %dma_wait3A_84 = arith.constant 0 : i32
      %dma_wait3A_85 = arith.constant 0 : i32
      %dma_wait3A_86 = tpu.memref_slice %arg11[%dma_wait3A_84, %dma_wait3A_85] : memref<10240x128xf32, #tpu.memory_space<vmem_shared>> -> memref<10240x128xf32, #tpu.memory_space<vmem_shared>>
      tpu.wait_indirect_dma semaphore(%run_scoped3A_74 : memref<!tpu.dma_semaphore, #tpu.memory_space<semaphore_mem>>) src(%arg10 : memref<128x128xf32, #tpu.memory_space<vmem>>) dst(%dma_wait3A_86 : memref<10240x128xf32, #tpu.memory_space<vmem_shared>>)
      tpu.yield
    }) : () -> ()
    "tpu.region"() ({
      %run_scoped3A_74 = tpu.sem_alloc : memref<!tpu.dma_semaphore, #tpu.memory_space<semaphore_mem>>
      %dma_start3A_75 = arith.constant 40 : i32
      %dma_start3A_76 = arith.constant 0 : i32
      %dma_start3A_77 = tpu.memref_slice %arg3[%add3A, %dma_start3A_75, %dma_start3A_76] : memref<32x80x128xi32, #tpu.memory_space<hbm>> -> memref<1x40x128xi32, #tpu.memory_space<hbm>>
      %dma_start3A_78 = tpu.memref_squeeze %dma_start3A_77 : memref<1x40x128xi32, #tpu.memory_space<hbm>> -> memref<40x128xi32, #tpu.memory_space<hbm>>
      %dma_start3A_79 = arith.constant 40 : i32
      %dma_start3A_80 = arith.constant 0 : i32
      %dma_start3A_81 = tpu.memref_slice %arg3[%add3A, %dma_start3A_79, %dma_start3A_80] : memref<32x80x128xi32, #tpu.memory_space<hbm>> -> memref<1x40x128xi32, #tpu.memory_space<hbm>>
      %dma_start3A_82 = tpu.memref_squeeze %dma_start3A_81 : memref<1x40x128xi32, #tpu.memory_space<hbm>> -> memref<40x128xi32, #tpu.memory_space<hbm>>
      tpu.enqueue_dma source(%dma_start3A_82 : memref<40x128xi32, #tpu.memory_space<hbm>>) target(%arg7 : memref<40x128xi32, #tpu.memory_space<vmem>>) target_semaphore(%run_scoped3A_74 : memref<!tpu.dma_semaphore, #tpu.memory_space<semaphore_mem>>)
      %dma_wait3A_83 = arith.constant 40 : i32
      %dma_wait3A_84 = arith.constant 0 : i32
      %dma_wait3A_85 = tpu.memref_slice %arg3[%add3A, %dma_wait3A_83, %dma_wait3A_84] : memref<32x80x128xi32, #tpu.memory_space<hbm>> -> memref<1x40x128xi32, #tpu.memory_space<hbm>>
      %dma_wait3A_86 = tpu.memref_squeeze %dma_wait3A_85 : memref<1x40x128xi32, #tpu.memory_space<hbm>> -> memref<40x128xi32, #tpu.memory_space<hbm>>
      %dma_wait3A_87 = arith.constant 40 : i32
      %dma_wait3A_88 = arith.constant 0 : i32
      %dma_wait3A_89 = tpu.memref_slice %arg3[%add3A, %dma_wait3A_87, %dma_wait3A_88] : memref<32x80x128xi32, #tpu.memory_space<hbm>> -> memref<1x40x128xi32, #tpu.memory_space<hbm>>
      %dma_wait3A_90 = tpu.memref_squeeze %dma_wait3A_89 : memref<1x40x128xi32, #tpu.memory_space<hbm>> -> memref<40x128xi32, #tpu.memory_space<hbm>>
      tpu.wait_dma2 semaphore(%run_scoped3A_74 : memref<!tpu.dma_semaphore, #tpu.memory_space<semaphore_mem>>) src(%dma_wait3A_90 : memref<40x128xi32, #tpu.memory_space<hbm>>) dst(%arg7 : memref<40x128xi32, #tpu.memory_space<vmem>>)
      tpu.yield
    }) : () -> ()
    "tpu.region"() ({
      %run_scoped3A_74 = tpu.sem_alloc : memref<!tpu.dma_semaphore, #tpu.memory_space<semaphore_mem>>
      %dma_start3A_75 = arith.constant 40 : i32
      %dma_start3A_76 = arith.constant 0 : i32
      %dma_start3A_77 = tpu.memref_slice %arg4[%add3A, %dma_start3A_75, %dma_start3A_76] : memref<32x80x128xi32, #tpu.memory_space<hbm>> -> memref<1x40x128xi32, #tpu.memory_space<hbm>>
      %dma_start3A_78 = tpu.memref_squeeze %dma_start3A_77 : memref<1x40x128xi32, #tpu.memory_space<hbm>> -> memref<40x128xi32, #tpu.memory_space<hbm>>
      %dma_start3A_79 = arith.constant 40 : i32
      %dma_start3A_80 = arith.constant 0 : i32
      %dma_start3A_81 = tpu.memref_slice %arg4[%add3A, %dma_start3A_79, %dma_start3A_80] : memref<32x80x128xi32, #tpu.memory_space<hbm>> -> memref<1x40x128xi32, #tpu.memory_space<hbm>>
      %dma_start3A_82 = tpu.memref_squeeze %dma_start3A_81 : memref<1x40x128xi32, #tpu.memory_space<hbm>> -> memref<40x128xi32, #tpu.memory_space<hbm>>
      tpu.enqueue_dma source(%dma_start3A_82 : memref<40x128xi32, #tpu.memory_space<hbm>>) target(%arg8 : memref<40x128xi32, #tpu.memory_space<vmem>>) target_semaphore(%run_scoped3A_74 : memref<!tpu.dma_semaphore, #tpu.memory_space<semaphore_mem>>)
      %dma_wait3A_83 = arith.constant 40 : i32
      %dma_wait3A_84 = arith.constant 0 : i32
      %dma_wait3A_85 = tpu.memref_slice %arg4[%add3A, %dma_wait3A_83, %dma_wait3A_84] : memref<32x80x128xi32, #tpu.memory_space<hbm>> -> memref<1x40x128xi32, #tpu.memory_space<hbm>>
      %dma_wait3A_86 = tpu.memref_squeeze %dma_wait3A_85 : memref<1x40x128xi32, #tpu.memory_space<hbm>> -> memref<40x128xi32, #tpu.memory_space<hbm>>
      %dma_wait3A_87 = arith.constant 40 : i32
      %dma_wait3A_88 = arith.constant 0 : i32
      %dma_wait3A_89 = tpu.memref_slice %arg4[%add3A, %dma_wait3A_87, %dma_wait3A_88] : memref<32x80x128xi32, #tpu.memory_space<hbm>> -> memref<1x40x128xi32, #tpu.memory_space<hbm>>
      %dma_wait3A_90 = tpu.memref_squeeze %dma_wait3A_89 : memref<1x40x128xi32, #tpu.memory_space<hbm>> -> memref<40x128xi32, #tpu.memory_space<hbm>>
      tpu.wait_dma2 semaphore(%run_scoped3A_74 : memref<!tpu.dma_semaphore, #tpu.memory_space<semaphore_mem>>) src(%dma_wait3A_90 : memref<40x128xi32, #tpu.memory_space<hbm>>) dst(%arg8 : memref<40x128xi32, #tpu.memory_space<vmem>>)
      tpu.yield
    }) : () -> ()
    %dma_start3A_34 = arith.constant 0 : i32
    %dma_start3A_35 = arith.constant 0 : i32
    %dma_start3A_36 = tpu.memref_slice %arg7[%dma_start3A_34, %dma_start3A_35] : memref<40x128xi32, #tpu.memory_space<vmem>> -> memref<1x128xi32, #tpu.memory_space<vmem>>
    %dma_start3A_37 = tpu.memref_squeeze %dma_start3A_36 : memref<1x128xi32, #tpu.memory_space<vmem>> -> memref<128xi32, #tpu.memory_space<vmem>>
    %dma_start3A_38 = arith.constant 0 : i32
    %dma_start3A_39 = arith.constant 0 : i32
    %dma_start3A_40 = tpu.memref_slice %arg2[%dma_start3A_38, %dma_start3A_39] : memref<10000x128xf32, #tpu.memory_space<hbm>> -> memref<10000x128xf32, #tpu.memory_space<hbm>>
    tpu.enqueue_indirect_dma source(%dma_start3A_40 : memref<10000x128xf32, #tpu.memory_space<hbm>>) target(%arg9 : memref<128x128xf32, #tpu.memory_space<vmem>>) offsets(%dma_start3A_37 : memref<128xi32, #tpu.memory_space<vmem>>) semaphore(%arg12 : memref<!tpu.dma_semaphore, #tpu.memory_space<semaphore_mem>>)
    %scan3A_41 = arith.constant 0 : i32
    %scan3A_42 = arith.constant 19 : i32
    %scan3A_43 = arith.addi %scan3A_41, %scan3A_42 : i32
    %scan3A_44 = arith.constant 1 : i32
    scf.for %scan3A_74 = %scan3A_41 to %scan3A_43 step %scan3A_44  : i32 {
      %mul3A_75 = arith.constant 2 : i32
      %mul3A_76 = arith.muli %scan3A_74, %mul3A_75 : i32
      %add3A_77 = arith.constant 0 : i32
      %add3A_78 = arith.addi %add3A_77, %mul3A_76 : i32
      %add3A_79 = arith.constant 1 : i32
      %add3A_80 = arith.addi %add3A_78, %add3A_79 : i32
      %dma_start3A_81 = arith.constant 0 : i32
      %dma_start3A_82 = tpu.memref_slice %arg7[%add3A_80, %dma_start3A_81] : memref<40x128xi32, #tpu.memory_space<vmem>> -> memref<1x128xi32, #tpu.memory_space<vmem>>
      %dma_start3A_83 = tpu.memref_squeeze %dma_start3A_82 : memref<1x128xi32, #tpu.memory_space<vmem>> -> memref<128xi32, #tpu.memory_space<vmem>>
      %dma_start3A_84 = arith.constant 0 : i32
      %dma_start3A_85 = arith.constant 0 : i32
      %dma_start3A_86 = tpu.memref_slice %arg2[%dma_start3A_84, %dma_start3A_85] : memref<10000x128xf32, #tpu.memory_space<hbm>> -> memref<10000x128xf32, #tpu.memory_space<hbm>>
      tpu.enqueue_indirect_dma source(%dma_start3A_86 : memref<10000x128xf32, #tpu.memory_space<hbm>>) target(%arg10 : memref<128x128xf32, #tpu.memory_space<vmem>>) offsets(%dma_start3A_83 : memref<128xi32, #tpu.memory_space<vmem>>) semaphore(%arg13 : memref<!tpu.dma_semaphore, #tpu.memory_space<semaphore_mem>>)
      %dma_wait3A_87 = arith.constant 0 : i32
      %dma_wait3A_88 = tpu.memref_slice %arg7[%add3A_78, %dma_wait3A_87] : memref<40x128xi32, #tpu.memory_space<vmem>> -> memref<1x128xi32, #tpu.memory_space<vmem>>
      %dma_wait3A_89 = tpu.memref_squeeze %dma_wait3A_88 : memref<1x128xi32, #tpu.memory_space<vmem>> -> memref<128xi32, #tpu.memory_space<vmem>>
      %dma_wait3A_90 = arith.constant 0 : i32
      %dma_wait3A_91 = arith.constant 0 : i32
      %dma_wait3A_92 = tpu.memref_slice %arg2[%dma_wait3A_90, %dma_wait3A_91] : memref<10000x128xf32, #tpu.memory_space<hbm>> -> memref<10000x128xf32, #tpu.memory_space<hbm>>
      tpu.wait_indirect_dma semaphore(%arg12 : memref<!tpu.dma_semaphore, #tpu.memory_space<semaphore_mem>>) src(%dma_wait3A_92 : memref<10000x128xf32, #tpu.memory_space<hbm>>) dst(%arg9 : memref<128x128xf32, #tpu.memory_space<vmem>>)
      "tpu.region"() ({
        %run_scoped3A_109 = tpu.sem_alloc : memref<!tpu.dma_semaphore, #tpu.memory_space<semaphore_mem>>
        %dma_start3A_110 = arith.constant 0 : i32
        %dma_start3A_111 = tpu.memref_slice %arg8[%add3A_78, %dma_start3A_110] : memref<40x128xi32, #tpu.memory_space<vmem>> -> memref<1x128xi32, #tpu.memory_space<vmem>>
        %dma_start3A_112 = tpu.memref_squeeze %dma_start3A_111 : memref<1x128xi32, #tpu.memory_space<vmem>> -> memref<128xi32, #tpu.memory_space<vmem>>
        %dma_start3A_113 = arith.constant 0 : i32
        %dma_start3A_114 = arith.constant 0 : i32
        %dma_start3A_115 = tpu.memref_slice %arg11[%dma_start3A_113, %dma_start3A_114] : memref<10240x128xf32, #tpu.memory_space<vmem_shared>> -> memref<10240x128xf32, #tpu.memory_space<vmem_shared>>
        tpu.enqueue_indirect_dma source(%arg9 : memref<128x128xf32, #tpu.memory_space<vmem>>) target(%dma_start3A_115 : memref<10240x128xf32, #tpu.memory_space<vmem_shared>>) offsets(%dma_start3A_112 : memref<128xi32, #tpu.memory_space<vmem>>) semaphore(%run_scoped3A_109 : memref<!tpu.dma_semaphore, #tpu.memory_space<semaphore_mem>>) {add = true}
        %dma_wait3A_116 = arith.constant 0 : i32
        %dma_wait3A_117 = tpu.memref_slice %arg8[%add3A_78, %dma_wait3A_116] : memref<40x128xi32, #tpu.memory_space<vmem>> -> memref<1x128xi32, #tpu.memory_space<vmem>>
        %dma_wait3A_118 = tpu.memref_squeeze %dma_wait3A_117 : memref<1x128xi32, #tpu.memory_space<vmem>> -> memref<128xi32, #tpu.memory_space<vmem>>
        %dma_wait3A_119 = arith.constant 0 : i32
        %dma_wait3A_120 = arith.constant 0 : i32
        %dma_wait3A_121 = tpu.memref_slice %arg11[%dma_wait3A_119, %dma_wait3A_120] : memref<10240x128xf32, #tpu.memory_space<vmem_shared>> -> memref<10240x128xf32, #tpu.memory_space<vmem_shared>>
        tpu.wait_indirect_dma semaphore(%run_scoped3A_109 : memref<!tpu.dma_semaphore, #tpu.memory_space<semaphore_mem>>) src(%arg9 : memref<128x128xf32, #tpu.memory_space<vmem>>) dst(%dma_wait3A_121 : memref<10240x128xf32, #tpu.memory_space<vmem_shared>>)
        tpu.yield
      }) : () -> ()
      %add3A_93 = arith.constant 2 : i32
      %add3A_94 = arith.addi %add3A_78, %add3A_93 : i32
      %dma_start3A_95 = arith.constant 0 : i32
      %dma_start3A_96 = tpu.memref_slice %arg7[%add3A_94, %dma_start3A_95] : memref<40x128xi32, #tpu.memory_space<vmem>> -> memref<1x128xi32, #tpu.memory_space<vmem>>
      %dma_start3A_97 = tpu.memref_squeeze %dma_start3A_96 : memref<1x128xi32, #tpu.memory_space<vmem>> -> memref<128xi32, #tpu.memory_space<vmem>>
      %dma_start3A_98 = arith.constant 0 : i32
      %dma_start3A_99 = arith.constant 0 : i32
      %dma_start3A_100 = tpu.memref_slice %arg2[%dma_start3A_98, %dma_start3A_99] : memref<10000x128xf32, #tpu.memory_space<hbm>> -> memref<10000x128xf32, #tpu.memory_space<hbm>>
      tpu.enqueue_indirect_dma source(%dma_start3A_100 : memref<10000x128xf32, #tpu.memory_space<hbm>>) target(%arg9 : memref<128x128xf32, #tpu.memory_space<vmem>>) offsets(%dma_start3A_97 : memref<128xi32, #tpu.memory_space<vmem>>) semaphore(%arg12 : memref<!tpu.dma_semaphore, #tpu.memory_space<semaphore_mem>>)
      %add3A_101 = arith.constant 1 : i32
      %add3A_102 = arith.addi %add3A_78, %add3A_101 : i32
      %dma_wait3A_103 = arith.constant 0 : i32
      %dma_wait3A_104 = tpu.memref_slice %arg7[%add3A_102, %dma_wait3A_103] : memref<40x128xi32, #tpu.memory_space<vmem>> -> memref<1x128xi32, #tpu.memory_space<vmem>>
      %dma_wait3A_105 = tpu.memref_squeeze %dma_wait3A_104 : memref<1x128xi32, #tpu.memory_space<vmem>> -> memref<128xi32, #tpu.memory_space<vmem>>
      %dma_wait3A_106 = arith.constant 0 : i32
      %dma_wait3A_107 = arith.constant 0 : i32
      %dma_wait3A_108 = tpu.memref_slice %arg2[%dma_wait3A_106, %dma_wait3A_107] : memref<10000x128xf32, #tpu.memory_space<hbm>> -> memref<10000x128xf32, #tpu.memory_space<hbm>>
      tpu.wait_indirect_dma semaphore(%arg13 : memref<!tpu.dma_semaphore, #tpu.memory_space<semaphore_mem>>) src(%dma_wait3A_108 : memref<10000x128xf32, #tpu.memory_space<hbm>>) dst(%arg10 : memref<128x128xf32, #tpu.memory_space<vmem>>)
      "tpu.region"() ({
        %run_scoped3A_109 = tpu.sem_alloc : memref<!tpu.dma_semaphore, #tpu.memory_space<semaphore_mem>>
        %dma_start3A_110 = arith.constant 0 : i32
        %dma_start3A_111 = tpu.memref_slice %arg8[%add3A_102, %dma_start3A_110] : memref<40x128xi32, #tpu.memory_space<vmem>> -> memref<1x128xi32, #tpu.memory_space<vmem>>
        %dma_start3A_112 = tpu.memref_squeeze %dma_start3A_111 : memref<1x128xi32, #tpu.memory_space<vmem>> -> memref<128xi32, #tpu.memory_space<vmem>>
        %dma_start3A_113 = arith.constant 0 : i32
        %dma_start3A_114 = arith.constant 0 : i32
        %dma_start3A_115 = tpu.memref_slice %arg11[%dma_start3A_113, %dma_start3A_114] : memref<10240x128xf32, #tpu.memory_space<vmem_shared>> -> memref<10240x128xf32, #tpu.memory_space<vmem_shared>>
        tpu.enqueue_indirect_dma source(%arg10 : memref<128x128xf32, #tpu.memory_space<vmem>>) target(%dma_start3A_115 : memref<10240x128xf32, #tpu.memory_space<vmem_shared>>) offsets(%dma_start3A_112 : memref<128xi32, #tpu.memory_space<vmem>>) semaphore(%run_scoped3A_109 : memref<!tpu.dma_semaphore, #tpu.memory_space<semaphore_mem>>) {add = true}
        %dma_wait3A_116 = arith.constant 0 : i32
        %dma_wait3A_117 = tpu.memref_slice %arg8[%add3A_102, %dma_wait3A_116] : memref<40x128xi32, #tpu.memory_space<vmem>> -> memref<1x128xi32, #tpu.memory_space<vmem>>
        %dma_wait3A_118 = tpu.memref_squeeze %dma_wait3A_117 : memref<1x128xi32, #tpu.memory_space<vmem>> -> memref<128xi32, #tpu.memory_space<vmem>>
        %dma_wait3A_119 = arith.constant 0 : i32
        %dma_wait3A_120 = arith.constant 0 : i32
        %dma_wait3A_121 = tpu.memref_slice %arg11[%dma_wait3A_119, %dma_wait3A_120] : memref<10240x128xf32, #tpu.memory_space<vmem_shared>> -> memref<10240x128xf32, #tpu.memory_space<vmem_shared>>
        tpu.wait_indirect_dma semaphore(%run_scoped3A_109 : memref<!tpu.dma_semaphore, #tpu.memory_space<semaphore_mem>>) src(%arg10 : memref<128x128xf32, #tpu.memory_space<vmem>>) dst(%dma_wait3A_121 : memref<10240x128xf32, #tpu.memory_space<vmem_shared>>)
        tpu.yield
      }) : () -> ()
    }
    %scan3A_45 = arith.constant 19 : i32
    %dma_start3A_46 = arith.constant 39 : i32
    %dma_start3A_47 = arith.constant 0 : i32
    %dma_start3A_48 = tpu.memref_slice %arg7[%dma_start3A_46, %dma_start3A_47] : memref<40x128xi32, #tpu.memory_space<vmem>> -> memref<1x128xi32, #tpu.memory_space<vmem>>
    %dma_start3A_49 = tpu.memref_squeeze %dma_start3A_48 : memref<1x128xi32, #tpu.memory_space<vmem>> -> memref<128xi32, #tpu.memory_space<vmem>>
    %dma_start3A_50 = arith.constant 0 : i32
    %dma_start3A_51 = arith.constant 0 : i32
    %dma_start3A_52 = tpu.memref_slice %arg2[%dma_start3A_50, %dma_start3A_51] : memref<10000x128xf32, #tpu.memory_space<hbm>> -> memref<10000x128xf32, #tpu.memory_space<hbm>>
    tpu.enqueue_indirect_dma source(%dma_start3A_52 : memref<10000x128xf32, #tpu.memory_space<hbm>>) target(%arg10 : memref<128x128xf32, #tpu.memory_space<vmem>>) offsets(%dma_start3A_49 : memref<128xi32, #tpu.memory_space<vmem>>) semaphore(%arg13 : memref<!tpu.dma_semaphore, #tpu.memory_space<semaphore_mem>>)
    %dma_wait3A_53 = arith.constant 38 : i32
    %dma_wait3A_54 = arith.constant 0 : i32
    %dma_wait3A_55 = tpu.memref_slice %arg7[%dma_wait3A_53, %dma_wait3A_54] : memref<40x128xi32, #tpu.memory_space<vmem>> -> memref<1x128xi32, #tpu.memory_space<vmem>>
    %dma_wait3A_56 = tpu.memref_squeeze %dma_wait3A_55 : memref<1x128xi32, #tpu.memory_space<vmem>> -> memref<128xi32, #tpu.memory_space<vmem>>
    %dma_wait3A_57 = arith.constant 0 : i32
    %dma_wait3A_58 = arith.constant 0 : i32
    %dma_wait3A_59 = tpu.memref_slice %arg2[%dma_wait3A_57, %dma_wait3A_58] : memref<10000x128xf32, #tpu.memory_space<hbm>> -> memref<10000x128xf32, #tpu.memory_space<hbm>>
    tpu.wait_indirect_dma semaphore(%arg12 : memref<!tpu.dma_semaphore, #tpu.memory_space<semaphore_mem>>) src(%dma_wait3A_59 : memref<10000x128xf32, #tpu.memory_space<hbm>>) dst(%arg9 : memref<128x128xf32, #tpu.memory_space<vmem>>)
    %run_scoped3A_60 = arith.constant 38 : i32
    "tpu.region"() ({
      %run_scoped3A_74 = tpu.sem_alloc : memref<!tpu.dma_semaphore, #tpu.memory_space<semaphore_mem>>
      %dma_start3A_75 = arith.constant 0 : i32
      %dma_start3A_76 = tpu.memref_slice %arg8[%run_scoped3A_60, %dma_start3A_75] : memref<40x128xi32, #tpu.memory_space<vmem>> -> memref<1x128xi32, #tpu.memory_space<vmem>>
      %dma_start3A_77 = tpu.memref_squeeze %dma_start3A_76 : memref<1x128xi32, #tpu.memory_space<vmem>> -> memref<128xi32, #tpu.memory_space<vmem>>
      %dma_start3A_78 = arith.constant 0 : i32
      %dma_start3A_79 = arith.constant 0 : i32
      %dma_start3A_80 = tpu.memref_slice %arg11[%dma_start3A_78, %dma_start3A_79] : memref<10240x128xf32, #tpu.memory_space<vmem_shared>> -> memref<10240x128xf32, #tpu.memory_space<vmem_shared>>
      tpu.enqueue_indirect_dma source(%arg9 : memref<128x128xf32, #tpu.memory_space<vmem>>) target(%dma_start3A_80 : memref<10240x128xf32, #tpu.memory_space<vmem_shared>>) offsets(%dma_start3A_77 : memref<128xi32, #tpu.memory_space<vmem>>) semaphore(%run_scoped3A_74 : memref<!tpu.dma_semaphore, #tpu.memory_space<semaphore_mem>>) {add = true}
      %dma_wait3A_81 = arith.constant 0 : i32
      %dma_wait3A_82 = tpu.memref_slice %arg8[%run_scoped3A_60, %dma_wait3A_81] : memref<40x128xi32, #tpu.memory_space<vmem>> -> memref<1x128xi32, #tpu.memory_space<vmem>>
      %dma_wait3A_83 = tpu.memref_squeeze %dma_wait3A_82 : memref<1x128xi32, #tpu.memory_space<vmem>> -> memref<128xi32, #tpu.memory_space<vmem>>
      %dma_wait3A_84 = arith.constant 0 : i32
      %dma_wait3A_85 = arith.constant 0 : i32
      %dma_wait3A_86 = tpu.memref_slice %arg11[%dma_wait3A_84, %dma_wait3A_85] : memref<10240x128xf32, #tpu.memory_space<vmem_shared>> -> memref<10240x128xf32, #tpu.memory_space<vmem_shared>>
      tpu.wait_indirect_dma semaphore(%run_scoped3A_74 : memref<!tpu.dma_semaphore, #tpu.memory_space<semaphore_mem>>) src(%arg9 : memref<128x128xf32, #tpu.memory_space<vmem>>) dst(%dma_wait3A_86 : memref<10240x128xf32, #tpu.memory_space<vmem_shared>>)
      tpu.yield
    }) : () -> ()
    %dma_wait3A_61 = arith.constant 39 : i32
    %dma_wait3A_62 = arith.constant 0 : i32
    %dma_wait3A_63 = tpu.memref_slice %arg7[%dma_wait3A_61, %dma_wait3A_62] : memref<40x128xi32, #tpu.memory_space<vmem>> -> memref<1x128xi32, #tpu.memory_space<vmem>>
    %dma_wait3A_64 = tpu.memref_squeeze %dma_wait3A_63 : memref<1x128xi32, #tpu.memory_space<vmem>> -> memref<128xi32, #tpu.memory_space<vmem>>
    %dma_wait3A_65 = arith.constant 0 : i32
    %dma_wait3A_66 = arith.constant 0 : i32
    %dma_wait3A_67 = tpu.memref_slice %arg2[%dma_wait3A_65, %dma_wait3A_66] : memref<10000x128xf32, #tpu.memory_space<hbm>> -> memref<10000x128xf32, #tpu.memory_space<hbm>>
    tpu.wait_indirect_dma semaphore(%arg13 : memref<!tpu.dma_semaphore, #tpu.memory_space<semaphore_mem>>) src(%dma_wait3A_67 : memref<10000x128xf32, #tpu.memory_space<hbm>>) dst(%arg10 : memref<128x128xf32, #tpu.memory_space<vmem>>)
    %run_scoped3A_68 = arith.constant 39 : i32
    "tpu.region"() ({
      %run_scoped3A_74 = tpu.sem_alloc : memref<!tpu.dma_semaphore, #tpu.memory_space<semaphore_mem>>
      %dma_start3A_75 = arith.constant 0 : i32
      %dma_start3A_76 = tpu.memref_slice %arg8[%run_scoped3A_68, %dma_start3A_75] : memref<40x128xi32, #tpu.memory_space<vmem>> -> memref<1x128xi32, #tpu.memory_space<vmem>>
      %dma_start3A_77 = tpu.memref_squeeze %dma_start3A_76 : memref<1x128xi32, #tpu.memory_space<vmem>> -> memref<128xi32, #tpu.memory_space<vmem>>
      %dma_start3A_78 = arith.constant 0 : i32
      %dma_start3A_79 = arith.constant 0 : i32
      %dma_start3A_80 = tpu.memref_slice %arg11[%dma_start3A_78, %dma_start3A_79] : memref<10240x128xf32, #tpu.memory_space<vmem_shared>> -> memref<10240x128xf32, #tpu.memory_space<vmem_shared>>
      tpu.enqueue_indirect_dma source(%arg10 : memref<128x128xf32, #tpu.memory_space<vmem>>) target(%dma_start3A_80 : memref<10240x128xf32, #tpu.memory_space<vmem_shared>>) offsets(%dma_start3A_77 : memref<128xi32, #tpu.memory_space<vmem>>) semaphore(%run_scoped3A_74 : memref<!tpu.dma_semaphore, #tpu.memory_space<semaphore_mem>>) {add = true}
      %dma_wait3A_81 = arith.constant 0 : i32
      %dma_wait3A_82 = tpu.memref_slice %arg8[%run_scoped3A_68, %dma_wait3A_81] : memref<40x128xi32, #tpu.memory_space<vmem>> -> memref<1x128xi32, #tpu.memory_space<vmem>>
      %dma_wait3A_83 = tpu.memref_squeeze %dma_wait3A_82 : memref<1x128xi32, #tpu.memory_space<vmem>> -> memref<128xi32, #tpu.memory_space<vmem>>
      %dma_wait3A_84 = arith.constant 0 : i32
      %dma_wait3A_85 = arith.constant 0 : i32
      %dma_wait3A_86 = tpu.memref_slice %arg11[%dma_wait3A_84, %dma_wait3A_85] : memref<10240x128xf32, #tpu.memory_space<vmem_shared>> -> memref<10240x128xf32, #tpu.memory_space<vmem_shared>>
      tpu.wait_indirect_dma semaphore(%run_scoped3A_74 : memref<!tpu.dma_semaphore, #tpu.memory_space<semaphore_mem>>) src(%arg10 : memref<128x128xf32, #tpu.memory_space<vmem>>) dst(%dma_wait3A_86 : memref<10240x128xf32, #tpu.memory_space<vmem_shared>>)
      tpu.yield
    }) : () -> ()
    %barrier3A_69 = arith.constant 0 : index
    tpu.barrier barrier_id(%barrier3A_69)
    %mul3A_70 = arith.constant 640 : i32
    %mul3A_71 = arith.muli %arg1, %mul3A_70 : i32
    %mul3A_72 = arith.constant 640 : i32
    %mul3A_73 = arith.muli %arg1, %mul3A_72 : i32
    "tpu.region"() ({
      %run_scoped3A_74 = tpu.sem_alloc : memref<!tpu.dma_semaphore, #tpu.memory_space<semaphore_mem>>
      %dma_start3A_75 = arith.constant 0 : i32
      %dma_start3A_76 = tpu.memref_slice %arg6[%arg0, %mul3A_73, %dma_start3A_75] : memref<2x10240x128xf32, #tpu.memory_space<hbm>> -> memref<1x640x128xf32, #tpu.memory_space<hbm>>
      %dma_start3A_77 = tpu.memref_squeeze %dma_start3A_76 : memref<1x640x128xf32, #tpu.memory_space<hbm>> -> memref<640x128xf32, #tpu.memory_space<hbm>>
      %dma_start3A_78 = arith.constant 0 : i32
      %dma_start3A_79 = tpu.memref_slice %arg11[%mul3A_71, %dma_start3A_78] : memref<10240x128xf32, #tpu.memory_space<vmem_shared>> -> memref<640x128xf32, #tpu.memory_space<vmem_shared>>
      tpu.enqueue_dma source(%dma_start3A_79 : memref<640x128xf32, #tpu.memory_space<vmem_shared>>) target(%dma_start3A_77 : memref<640x128xf32, #tpu.memory_space<hbm>>) target_semaphore(%run_scoped3A_74 : memref<!tpu.dma_semaphore, #tpu.memory_space<semaphore_mem>>)
      %dma_wait3A_80 = arith.constant 0 : i32
      %dma_wait3A_81 = tpu.memref_slice %arg6[%arg0, %mul3A_73, %dma_wait3A_80] : memref<2x10240x128xf32, #tpu.memory_space<hbm>> -> memref<1x640x128xf32, #tpu.memory_space<hbm>>
      %dma_wait3A_82 = tpu.memref_squeeze %dma_wait3A_81 : memref<1x640x128xf32, #tpu.memory_space<hbm>> -> memref<640x128xf32, #tpu.memory_space<hbm>>
      %dma_wait3A_83 = arith.constant 0 : i32
      %dma_wait3A_84 = tpu.memref_slice %arg11[%mul3A_71, %dma_wait3A_83] : memref<10240x128xf32, #tpu.memory_space<vmem_shared>> -> memref<640x128xf32, #tpu.memory_space<vmem_shared>>
      tpu.wait_dma2 semaphore(%run_scoped3A_74 : memref<!tpu.dma_semaphore, #tpu.memory_space<semaphore_mem>>) src(%dma_wait3A_84 : memref<640x128xf32, #tpu.memory_space<vmem_shared>>) dst(%dma_wait3A_82 : memref<640x128xf32, #tpu.memory_space<hbm>>)
      tpu.yield
    }) : () -> ()
    return
  }
}

module attributes {stable_mosaic.version = 14 : i64} {
  func.func @_lin_body(%arg0: i32, %arg1: memref<2000x128xf32, #tpu.memory_space<vmem>>, %arg2: memref<2x2000x128xf32, #tpu.memory_space<vmem>>, %arg3: memref<128x128xf32, #tpu.memory_space<vmem>>, %arg4: memref<1x128xf32, #tpu.memory_space<vmem>>, %arg5: memref<2000x128xf32, #tpu.memory_space<vmem>>) attributes {dimension_semantics = [#tpu.dimension_semantics<arbitrary>], iteration_bounds = array<i64: 5>, scalar_prefetch = 0 : i64, scratch_operands = 0 : i64, tpu.core_type = #tpu.core_type<tc>, window_params = [{transform_indices = @transform_0, window_bounds = array<i64: 2000, 128>}, {transform_indices = @transform_1, window_bounds = array<i64: 2, 2000, 128>}, {pipeline_mode = #tpu.pipeline_mode<synchronous>, transform_indices = @transform_2, window_bounds = array<i64: 128, 128>}, {pipeline_mode = #tpu.pipeline_mode<synchronous>, transform_indices = @transform_3, window_bounds = array<i64: 1, 128>}, {transform_indices = @transform_4, window_bounds = array<i64: 2000, 128>}]} {
    %get3A = arith.constant 0 : index
    %get3A_0 = arith.constant 0 : index
    %get3A_1 = vector.load %arg1[%get3A, %get3A_0] : memref<2000x128xf32, #tpu.memory_space<vmem>>, vector<2000x128xf32>
    %get3A_2 = arith.constant 0 : index
    %get3A_3 = arith.constant 0 : index
    %get3A_4 = arith.constant 0 : index
    %get3A_5 = vector.load %arg2[%get3A_2, %get3A_3, %get3A_4] : memref<2x2000x128xf32, #tpu.memory_space<vmem>>, vector<1x2000x128xf32>
    %get3A_6 = vector.shape_cast %get3A_5 : vector<1x2000x128xf32> to vector<2000x128xf32>
    %add3A = arith.addf %get3A_1, %get3A_6 : vector<2000x128xf32>
    %get3A_7 = arith.constant 1 : index
    %get3A_8 = arith.constant 0 : index
    %get3A_9 = arith.constant 0 : index
    %get3A_10 = vector.load %arg2[%get3A_7, %get3A_8, %get3A_9] : memref<2x2000x128xf32, #tpu.memory_space<vmem>>, vector<1x2000x128xf32>
    %get3A_11 = vector.shape_cast %get3A_10 : vector<1x2000x128xf32> to vector<2000x128xf32>
    %add3A_12 = arith.addf %add3A, %get3A_11 : vector<2000x128xf32>
    %get3A_13 = arith.constant 0 : index
    %get3A_14 = arith.constant 0 : index
    %get3A_15 = vector.load %arg3[%get3A_13, %get3A_14] : memref<128x128xf32, #tpu.memory_space<vmem>>, vector<128x128xf32>
    %dot_general3A = arith.constant dense<0.000000e+00> : vector<2000x128xf32>
    %dot_general3A_16 = tpu.matmul %add3A_12, %get3A_15, %dot_general3A {dimension_numbers = #tpu.dot_dimension_numbers<[1], [1], [0], [0], [0, 0, 1, 0], [], []>, transpose_lhs_hint = false} : vector<2000x128xf32>, vector<128x128xf32>, vector<2000x128xf32> -> vector<2000x128xf32>
    %get3A_17 = arith.constant 0 : index
    %get3A_18 = arith.constant 0 : index
    %get3A_19 = vector.load %arg4[%get3A_17, %get3A_18] : memref<1x128xf32, #tpu.memory_space<vmem>>, vector<1x128xf32>
    %add3A_20 = vector.broadcast %get3A_19 : vector<1x128xf32> to vector<2000x128xf32>
    %add3A_21 = arith.addf %dot_general3A_16, %add3A_20 : vector<2000x128xf32>
    %swap3A = arith.constant 0 : index
    %swap3A_22 = arith.constant 0 : index
    %swap3A_23 = vector.load %arg5[%swap3A, %swap3A_22] : memref<2000x128xf32, #tpu.memory_space<vmem>>, vector<2000x128xf32>
    tpu.vector_store %arg5[%swap3A, %swap3A_22], %add3A_21 {strides = array<i32>} : memref<2000x128xf32, #tpu.memory_space<vmem>>, vector<2000x128xf32>,
    return
  }
  func.func @transform_0(%arg0: i32) -> (i32, i32) {
    %c0_i32 = arith.constant 0 : i32
    %c0_i32_0 = arith.constant 0 : i32
    return %arg0, %c0_i32 : i32, i32
  }
  func.func @transform_1(%arg0: i32) -> (i32, i32, i32) {
    %c0_i32 = arith.constant 0 : i32
    %c0_i32_0 = arith.constant 0 : i32
    %c0_i32_1 = arith.constant 0 : i32
    return %c0_i32, %arg0, %c0_i32_0 : i32, i32, i32
  }
  func.func @transform_2(%arg0: i32) -> (i32, i32) {
    %c0_i32 = arith.constant 0 : i32
    %c0_i32_0 = arith.constant 0 : i32
    %c0_i32_1 = arith.constant 0 : i32
    return %c0_i32, %c0_i32_0 : i32, i32
  }
  func.func @transform_3(%arg0: i32) -> (i32, i32) {
    %c0_i32 = arith.constant 0 : i32
    %c0_i32_0 = arith.constant 0 : i32
    %c0_i32_1 = arith.constant 0 : i32
    return %c0_i32, %c0_i32_0 : i32, i32
  }
  func.func @transform_4(%arg0: i32) -> (i32, i32) {
    %c0_i32 = arith.constant 0 : i32
    %c0_i32_0 = arith.constant 0 : i32
    return %arg0, %c0_i32 : i32, i32
  }
}

module attributes {stable_mosaic.version = 14 : i64} {
  func.func @_lin_body(%arg0: i32, %arg1: memref<2000x128xf32, #tpu.memory_space<vmem>>, %arg2: memref<2x2000x128xf32, #tpu.memory_space<vmem>>, %arg3: memref<128x128xf32, #tpu.memory_space<vmem>>, %arg4: memref<1x128xf32, #tpu.memory_space<vmem>>, %arg5: memref<2000x128xf32, #tpu.memory_space<vmem>>) attributes {dimension_semantics = [#tpu.dimension_semantics<arbitrary>], iteration_bounds = array<i64: 5>, scalar_prefetch = 0 : i64, scratch_operands = 0 : i64, tpu.core_type = #tpu.core_type<tc>, window_params = [{transform_indices = @transform_0, window_bounds = array<i64: 2000, 128>}, {transform_indices = @transform_1, window_bounds = array<i64: 2, 2000, 128>}, {pipeline_mode = #tpu.pipeline_mode<synchronous>, transform_indices = @transform_2, window_bounds = array<i64: 128, 128>}, {pipeline_mode = #tpu.pipeline_mode<synchronous>, transform_indices = @transform_3, window_bounds = array<i64: 1, 128>}, {transform_indices = @transform_4, window_bounds = array<i64: 2000, 128>}]} {
    %get3A = arith.constant 0 : index
    %get3A_0 = arith.constant 0 : index
    %get3A_1 = vector.load %arg1[%get3A, %get3A_0] : memref<2000x128xf32, #tpu.memory_space<vmem>>, vector<2000x128xf32>
    %get3A_2 = arith.constant 0 : index
    %get3A_3 = arith.constant 0 : index
    %get3A_4 = arith.constant 0 : index
    %get3A_5 = vector.load %arg2[%get3A_2, %get3A_3, %get3A_4] : memref<2x2000x128xf32, #tpu.memory_space<vmem>>, vector<1x2000x128xf32>
    %get3A_6 = vector.shape_cast %get3A_5 : vector<1x2000x128xf32> to vector<2000x128xf32>
    %add3A = arith.addf %get3A_1, %get3A_6 : vector<2000x128xf32>
    %get3A_7 = arith.constant 1 : index
    %get3A_8 = arith.constant 0 : index
    %get3A_9 = arith.constant 0 : index
    %get3A_10 = vector.load %arg2[%get3A_7, %get3A_8, %get3A_9] : memref<2x2000x128xf32, #tpu.memory_space<vmem>>, vector<1x2000x128xf32>
    %get3A_11 = vector.shape_cast %get3A_10 : vector<1x2000x128xf32> to vector<2000x128xf32>
    %add3A_12 = arith.addf %add3A, %get3A_11 : vector<2000x128xf32>
    %get3A_13 = arith.constant 0 : index
    %get3A_14 = arith.constant 0 : index
    %get3A_15 = vector.load %arg3[%get3A_13, %get3A_14] : memref<128x128xf32, #tpu.memory_space<vmem>>, vector<128x128xf32>
    %dot_general3A = arith.constant dense<0.000000e+00> : vector<2000x128xf32>
    %dot_general3A_16 = tpu.matmul %add3A_12, %get3A_15, %dot_general3A {dimension_numbers = #tpu.dot_dimension_numbers<[1], [1], [0], [0], [0, 0, 1, 0], [], []>, transpose_lhs_hint = false} : vector<2000x128xf32>, vector<128x128xf32>, vector<2000x128xf32> -> vector<2000x128xf32>
    %get3A_17 = arith.constant 0 : index
    %get3A_18 = arith.constant 0 : index
    %get3A_19 = vector.load %arg4[%get3A_17, %get3A_18] : memref<1x128xf32, #tpu.memory_space<vmem>>, vector<1x128xf32>
    %add3A_20 = vector.broadcast %get3A_19 : vector<1x128xf32> to vector<2000x128xf32>
    %add3A_21 = arith.addf %dot_general3A_16, %add3A_20 : vector<2000x128xf32>
    %max3A = arith.constant 0.000000e+00 : f32
    %max3A_22 = vector.broadcast %max3A : f32 to vector<2000x128xf32>
    %max3A_23 = arith.maximumf %add3A_21, %max3A_22 : vector<2000x128xf32>
    %swap3A = arith.constant 0 : index
    %swap3A_24 = arith.constant 0 : index
    %swap3A_25 = vector.load %arg5[%swap3A, %swap3A_24] : memref<2000x128xf32, #tpu.memory_space<vmem>>, vector<2000x128xf32>
    tpu.vector_store %arg5[%swap3A, %swap3A_24], %max3A_23 {strides = array<i32>} : memref<2000x128xf32, #tpu.memory_space<vmem>>, vector<2000x128xf32>,
    return
  }
  func.func @transform_0(%arg0: i32) -> (i32, i32) {
    %c0_i32 = arith.constant 0 : i32
    %c0_i32_0 = arith.constant 0 : i32
    return %arg0, %c0_i32 : i32, i32
  }
  func.func @transform_1(%arg0: i32) -> (i32, i32, i32) {
    %c0_i32 = arith.constant 0 : i32
    %c0_i32_0 = arith.constant 0 : i32
    %c0_i32_1 = arith.constant 0 : i32
    return %c0_i32, %arg0, %c0_i32_0 : i32, i32, i32
  }
  func.func @transform_2(%arg0: i32) -> (i32, i32) {
    %c0_i32 = arith.constant 0 : i32
    %c0_i32_0 = arith.constant 0 : i32
    %c0_i32_1 = arith.constant 0 : i32
    return %c0_i32, %c0_i32_0 : i32, i32
  }
  func.func @transform_3(%arg0: i32) -> (i32, i32) {
    %c0_i32 = arith.constant 0 : i32
    %c0_i32_0 = arith.constant 0 : i32
    %c0_i32_1 = arith.constant 0 : i32
    return %c0_i32, %c0_i32_0 : i32, i32
  }
  func.func @transform_4(%arg0: i32) -> (i32, i32) {
    %c0_i32 = arith.constant 0 : i32
    %c0_i32_0 = arith.constant 0 : i32
    return %arg0, %c0_i32 : i32, i32
  }
}

</mosaic_0001>

<sc_bundles>
// kernel: kernel.6.cloned.1.call-start
scs
__scs_entry_jumppad:
0x0: {  	(pc) =	sbr.rel $0x88, $3  }
0x1: {  	(tag) =	ssettag $0x0;
	lr =	simm.s32 $0x1  }
0x2: {  	[smem:$0x3F9B] =	sst lr;
	_ =	strace $0xD0000000  }
0x3: {  	_ = 	snop  }
0x4: {  	_ = 	snop  }
0x5: {  	_ = 	snop  }
0x6: {  	_ = 	snop  }
0x7: {  	_ = 	snop  }
__scs_overlays_trampoline_lowered:
0x8: {  	[smem:$0x3FAA] =	sst s0  }
0x9: {  	[smem:$0x3FAB] =	sst s1  }
0xa: {  	[smem:$0x3FAC] =	sst s2  }
0xb: {  	[smem:$0x3FAD] =	sst s3  }
0xc: {  	[smem:$0x3FAE] =	sst s4  }
0xd: {  	[smem:$0x3FAF] =	sst s5  }
0xe: {  	[smem:$0x3FB0] =	sst s6  }
0xf: {  	[smem:$0x3FB1] =	sst s7  }
0x10: {  	[smem:$0x3FB2] =	sst s8  }
0x11: {  	[smem:$0x3FB3] =	sst s9;
	s0 =	simm.s32 @!p0 $0x0  }
0x12: {  	s1 =	sld [smem:$0x3F99];
	s0 =	simm.s32 @p0 $0x1  }
0x13: {  	[smem:$0x3FB4] =	sst s0;
	s0 =	simm.s32 @!p1 $0x0  }
0x14: {  	s2 =	sld [smem:$0x3F98];
	s0 =	simm.s32 @p1 $0x1  }
0x15: {  	[smem:$0x3FB5] =	sst s0;
	s0 =	simm.s32 @!p2 $0x0  }
0x16: {  	s3 =	sld [smem:$0x3FDB];
	s0 =	simm.s32 @p2 $0x1  }
0x17: {  	s4 =	simm.s32 $0x1BF5;
	[smem:$0x3FB7] =	sst s0  }
0x18: {  	s0 =	sld [smem:$0x3F9A];
	_ =	swait.ge [sflag:s4], $0x0  }
0x19: {  	s7 =	sld [smem:$0x3F9B]  }
0x1a: {  	s8 =	sadd.s32 $0xFFFFE003, lr  }
0x1b: {  	s9 =	sadd.s32 $0xFFFFFEF7, lr;
	s5 =	simm.s32 $0xFFFFFFFF;
	p2 =	slt.u32 s8, $0xFFFFF086  }
0x1c: {  	p1 =	slt.u32 s9, $0xF7A;
	s5 =	simm.s32 @!p2 $0x0  }
0x1d: {  	s5 =	simm.s32 @p1 $0x1;
	p0 =	seq.s32 s7, s2  }
0x1e: {  	s7 =	smul.u32 @!p0 $0xF7A, s2;
	p2 =	seq.s32 @!p0 s5, $0x0  }
0x1f: {  	s9 =	smul.u32 $0xF7A, s1;
	s8 =	simm.s32 @!p0 $0x1BF5;
	p2 =	por !p2, p0  }
0x20: {  	[sflag:s8] =	ssyncset.s32 @!p0 $0xFFFFF086;
	s6 =	sadd.s32 @!p0 s3, s7;
	s7 =	simm.s32 @!p0 $0x108  }
0x21: {  	s3 =	sadd.s32 s3, s9;
	s6 =	sadd.s32 @!p0 $0x88, s6;
	s7 =	simm.s32 @p2 $0x1082  }
0x22: {  	[simem:s7], [sflag:s8] =	dma.local @!p0 [hbm:s6], $0xF7A  }
0x23: {  	s9 =	sor.u32 $0xD0000000, s2;
	s6 =	simm.s32 $0x108;
	_ =	swait.ge @!p0 [sflag:s8], $0x0  }
0x24: {  	s3 =	sadd.s32 $0x88, s3;
	s6 =	simm.s32 @!p1 $0x1082;
	[sflag:s4] =	ssyncset.s32 $0xFFFFF086  }
0x25: {  	[simem:s6], [sflag:s4] =	dma.local [hbm:s3], $0xF7A  }
0x26: {  	[smem:$0x3F9B] =	sst s1;
	(tag) =	ssettag s2;
	_ =	strace s9  }
0x27: {  	s1 =	sld [smem:$0x3FAB]  }
0x28: {  	s2 =	sld [smem:$0x3FAC]  }
0x29: {  	s4 =	sld [smem:$0x3FAE]  }
0x2a: {  	p0 =	seq.s32 s5, $0x0;
	s5 =	sld [smem:$0x3FAF]  }
0x2b: {  	s6 =	sld [smem:$0x3FB0]  }
0x2c: {  	s7 =	sld [smem:$0x3FB1]  }
0x2d: {  	s3 =	simm.s32 $0x108;
	s8 =	sld [smem:$0x3FB2]  }
0x2e: {  	s3 =	simm.s32 @!p0 $0x1082;
	s9 =	sld [smem:$0x3FB3]  }
0x2f: {  	lr =	sadd.s32 s0, s3;
	s0 =	sld [smem:$0x3FAA]  }
0x30: {  	s3 =	sld [smem:$0x3FAD]  }
0x31: {  	[smem:$0x3FB6] =	sst s10  }
0x32: {  	s10 =	sld [smem:$0x3FB4];
	_ =	sdelay $0x3  }
0x33: {  	p0 =	seq.s32 s10, $0x1;
	s10 =	sld [smem:$0x3FB6];
	_ =	sdelay $0x3  }
0x34: {  	[smem:$0x3FB6] =	sst s10  }
0x35: {  	s10 =	sld [smem:$0x3FB5];
	_ =	sdelay $0x3  }
0x36: {  	p1 =	seq.s32 s10, $0x1;
	s10 =	sld [smem:$0x3FB6];
	_ =	sdelay $0x3  }
0x37: {  	[smem:$0x3FB6] =	sst s10  }
0x38: {  	s10 =	sld [smem:$0x3FB7]  }
0x39: {  	_ = 	snop;
	(pc) =	sbr.ind lr, $3  }
0x3a: {  	_ = 	snop  }
0x3b: {  	_ = 	snop  }
0x3c: {  	p2 =	seq.s32 s10, $0x1;
	s10 =	sld [smem:$0x3FB6]  }
0x3d: {  	_ =	shalt  }
0x3e: {  	_ =	shalt  }
0x3f: {  	_ =	shalt  }
0x40: {  	_ =	shalt  }
0x41: {  	_ =	shalt  }
0x42: {  	_ =	shalt  }
0x43: {  	_ =	shalt  }
0x44: {  	_ =	shalt  }
0x45: {  	_ =	shalt  }
0x46: {  	_ =	shalt  }
0x47: {  	_ =	shalt  }
0x48: {  	_ =	shalt  }
0x49: {  	_ =	shalt  }
0x4a: {  	_ =	shalt  }
0x4b: {  	_ =	shalt  }
0x4c: {  	_ =	shalt  }
0x4d: {  	_ =	shalt  }
0x4e: {  	_ =	shalt  }
0x4f: {  	_ =	shalt  }
0x50: {  	_ =	shalt  }
0x51: {  	_ =	shalt  }
0x52: {  	_ =	shalt  }
0x53: {  	_ =	shalt  }
0x54: {  	_ =	shalt  }
0x55: {  	_ =	shalt  }
0x56: {  	_ =	shalt  }
0x57: {  	_ =	shalt  }
0x58: {  	_ =	shalt  }
0x59: {  	_ =	shalt  }
0x5a: {  	_ =	shalt  }
0x5b: {  	_ =	shalt  }
0x5c: {  	_ =	shalt  }
0x5d: {  	_ =	shalt  }
0x5e: {  	_ =	shalt  }
0x5f: {  	_ =	shalt  }
0x60: {  	_ =	shalt  }
0x61: {  	_ =	shalt  }
0x62: {  	_ =	shalt  }
0x63: {  	_ =	shalt  }
0x64: {  	_ =	shalt  }
0x65: {  	_ =	shalt  }
0x66: {  	_ =	shalt  }
0x67: {  	_ =	shalt  }
0x68: {  	_ =	shalt  }
0x69: {  	_ =	shalt  }
0x6a: {  	_ =	shalt  }
0x6b: {  	_ =	shalt  }
0x6c: {  	_ =	shalt  }
0x6d: {  	_ =	shalt  }
0x6e: {  	_ =	shalt  }
0x6f: {  	_ =	shalt  }
0x70: {  	_ =	shalt  }
0x71: {  	_ =	shalt  }
0x72: {  	_ =	shalt  }
0x73: {  	_ =	shalt  }
0x74: {  	_ =	shalt  }
0x75: {  	_ =	shalt  }
0x76: {  	_ =	shalt  }
0x77: {  	_ =	shalt  }
0x78: {  	_ =	shalt  }
0x79: {  	_ =	shalt  }
0x7a: {  	_ =	shalt  }
0x7b: {  	_ =	shalt  }
0x7c: {  	_ =	shalt  }
0x7d: {  	_ =	shalt  }
0x7e: {  	_ =	shalt  }
0x7f: {  	_ =	shalt  }
0x80: {  	_ =	shalt  }
0x81: {  	_ =	shalt  }
0x82: {  	_ =	shalt  }
0x83: {  	_ =	shalt  }
0x84: {  	_ =	shalt  }
0x85: {  	_ =	shalt  }
0x86: {  	_ =	shalt  }
0x87: {  	_ =	shalt  }
.Lfunc_end0:
.L_simem_size_0:
called_computation_lowered:
.L_overlay_start_0:
0x88: {  	s2 =	sld [smem:$0x3FD9]  }
0x89: {  	s3 =	sld [smem:$0x3FFE];
	_ =	sdelay $0x1  }
0x8a: {  	s1 =	srdreg.scid  }
0x8b: {  	s0 =	sand.u32 $0x1, s1  }
0x8c: {  	s17 =	sshll.u32 s0, $0xA;
	s2 =	sadd.s32 s3, s2  }
0x8d: {  	s2 =	sadd.s32 s2, s17  }
0x8e: {  	[smem:$0x3FC2] =	sst s2  }
0x8f: {  	_ = 	snop  }
0x90: {  	s2 =	sld [smem:$0x3FC9];
	(tm) =	ssettm $0x1  }
0x91: {  	s18 =	sld [smem:$0x3FFB];
	_ =	sdelay $0x3  }
0x92: {  	_ =	strace s18  }
0x93: {  	s3 =	sld [smem:$0x3FFC];
	_ =	sdelay $0x3  }
0x94: {  	_ =	strace s3  }
0x95: {  	s3 =	sld [smem:$0x3FFD];
	_ =	sdelay $0x3  }
0x96: {  	_ =	strace s3  }
0x97: {  	_ =	strace $0x8FFFFFFF  }
0x98: {  	s19 =	sld [smem:$0x3FDB];
	_ =	sdelay $0x1  }
0x99: {  	s4 =	simm.s32 $_scs_section_size  }
0x9a: {  	s5 =	simm.s32 $_size__tile_overlayer_lowered;
	s6 =	simm.s32 $_tile_overlayer_lowered  }
0x9b: {  	s22 =	simm.s32 $0x1BFF;
	s21 =	sshll.u32 s6, $0x1;
	s3 =	sadd.s32 s4, s19  }
0x9c: {  	s7 =	simm.s32 $0x0;
	s20 =	sshll.u32 s5, $0x1;
	s5 =	sadd.s32 s21, s3  }
0x9d: {  	[timem:s7], [sflag:s22] =	dma.local [hbm:s5], s20  }
0x9e: {  	_ =	swait.ge [sflag:s22], s20  }
0x9f: {  	s4 =	ssub.s32 $0x0, s20;
	[sflag:s22] =	ssyncset.done $0x0  }
0xa0: {  	[sflag:s22] =	ssyncadd.s32 s4;
	_ =	sdelay $0x1  }
0xa1: {  	s23 =	simm.s32 $0x1B8B  }
0xa2: {  	_ =	swait.ge [sflag:s23], $0x1  }
0xa3: {  	[sflag:s23] =	ssyncset.done $0x0  }
0xa4: {  	s25 =	simm.s32 $0x1B8E;
	s24 =	sld [smem:$0x3FFE];
	[sflag:s23] =	ssyncadd.s32 $0xFFFFFFFF  }
0xa5: {  	s26 =	simm.s32 $execute0_lowered;
	[smem:$0x3FD2] =	sst s25  }
0xa6: {  	s5 =	sshll.u32 s26, $0x1;
	_ =	strace $0x80000046;
	[dreg:$0x1] =	wrdreg $0xFFFFFFFF  }
0xa7: {  	s28 =	simm.s32 $_size_execute0_lowered;
	s3 =	sadd.s32 s3, s5;
	[dreg:$0x0] =	wrdreg $0x0  }
0xa8: {  	s5 =	sshll.u32 s28, $0x1;
	[dreg:$0x2] =	wrdreg s3  }
0xa9: {  	[dreg:$0x3] =	wrdreg s5  }
0xaa: {  	[dreg:$0x4] =	wrdreg $0xC0  }
0xab: {  	_ =	task [dreg:s7], $0x5FFFF  }
0xac: {  	[dreg:$0x1] =	wrdreg $0xFFFFFFFF  }
0xad: {  	[dreg:$0x0] =	wrdreg $0x60  }
0xae: {  	[dreg:$0x2] =	wrdreg s2  }
0xaf: {  	[dreg:$0x3] =	wrdreg s24  }
0xb0: {  	[dreg:$0x4] =	wrdreg $0xA8000  }
0xb1: {  	[dreg:$0x5] =	wrdreg $0x9  }
0xb2: {  	_ =	task.clear_ibuf [dreg:s7], $0x6FFFF;
	_ =	strace $0x90000046  }
0xb3: {  	s29 =	simm.s32 $0x9;
	_ =	strace $0x80000048  }
0xb4: {  	_ =	swait.ge [sflag:s29], $0x1  }
0xb5: {  	[sflag:s29] =	ssyncadd.s32 $0xFFFFFFFF  }
0xb6: {  	_ =	strace $0x90000048  }
0xb7: {  	_ =	sfence  }
0xb8: {  	s30 =	sld [smem:$0x0];
	_ =	sdelay $0x2  }
0xb9: {  	s31 =	sshll.u32 s1, $0xD;
	s1 =	sshrl.u32 s1, $0x2  }
0xba: {  	s3 =	sand.u32 $0x4000, s31;
	s1 =	sadd.s32 s1, s30  }
0xbb: {  	s0 =	sor.u32 s3, s0;
	s1 =	sshll.u32 s1, $0x11  }
0xbc: {  	s0 =	sor.u32 s1, s0  }
0xbd: {  	s0 =	sadd.s32 $0x8F2B, s0  }
0xbe: {  	[sflag:s0] =	ssyncadd.remote.s32 $0x1  }
0xbf: {  	_ =	sfence.sel $0xFFFF  }
0xc0: {  	[dreg:$0x0] =	wrdreg $0xFFFFFFFF;
	(pc) =	sbr.abs _section_cstart, $3  }
0xc1: {  	[dreg:$0x1] =	wrdreg $0xFFFFFFFF  }
0xc2: {  	_ =	task.clear_ibuf [dreg:s7], $0x2FFFF;
	_ =	strace $0x9FFFFFFF  }
0xc3: {  	(tm) =	ssettm $0x7FFFFFFF  }
tec
execute0_lowered:
.L_overlay_start_1:
0x0: {  	(tag) =	ssettag $0x1  }
0x1: {  	s1 =	rddreg [dreg:$0x0]  }
0x2: {  	s6 =	rddreg [dreg:$0x1]  }
0x3: {  	s2 =	rddreg [dreg:$0x2];
	s3 =	srdreg.scid  }
0x4: {  	s0 =	rddreg [dreg:$0x3];
	s4 =	simm.s32 $0x0;
	s15 =	simm.s32 $0x1400  }
0x5: {  	s16 =	simm.s32 $0x80;
	s17 =	simm.s32 $0x2800;
	s18 =	simm.s32 $0x6800  }
0x6: {  	s19 =	simm.s32 $0x1;
	s20 =	simm.s32 $0x2;
	s21 =	simm.s32 $0x1380  }
0x7: {  	s22 =	simm.s32 $0x2700;
	s5 =	sand.u32 $0x1, s3;
	s3 =	stileid.u32  }
0x8: {  	s23 =	simm.s32 $0x2780;
	[smem:$0x7FF] =	sst s4;
	s7 =	smul.u32 $0x140000, s5  }
0x9: {  	s9 =	sadd.s32 $0x1A00, s6;
	s10 =	sadd.s32 $0xBA00, s6;
	s8 =	smul.u32 $0x14000, s3  }
0xa: {  	_ =	strace $0x80000047;
	s24 =	sshll.u32 s3, $0x1;
	s11 =	ssub.s32 $0x2, s5  }
0xb: {  	s25 =	smul.u32 $0x50000, s3;
	s28 =	sshll.u32 s3, $0x6;
	s5 =	sor.u32 s5, s24  }
0xc: {  	s12 =	sshrl.u32 s11, $0x1;
	s24 =	simm.s32 $0x0;
	s7 =	sadd.s32 s8, s7  }
0xd: {  	s13 =	smul.u32 $0x2800, s5;
	s5 =	sadd.s32 $0x15A00, s6;
	s26 =	sshrl.u32 s25, $0x2  }
0xe: {  	s12 =	ssub.s32 s11, s12;
	s7 =	sshrl.u32 s7, $0x3;
	s30 =	sadd.s32 s26, s2  }
0xf: {  	s12 =	smax.u32 s12, $0x1;
	s14 =	sadd.s32 s7, s6;
	s29 =	sshrl.u32 s13, $0x3  }
0x10: {  	s6 =	sor.u32 $0x1C03, s28;
	s13 =	sshrl.u32 s30, $0x3;
	s31 =	sadd.s32 $0x280, s29  }
0x11: {  	s7 =	sadd.s32 s9, s29;
	s8 =	sadd.s32 s10, s29;
	s11 =	sadd.s32 $0x18200, s14  }
0x12: {  	s14 =	simm.s32 $0x3;
	s9 =	sadd.s32 s9, s31;
	s10 =	sadd.s32 s10, s31  }
.LBB2_1:
0x13: {  	[spmem:s13], [sflag:s6] =	dma.local [hbm:s5], $0x2800  }
0x14: {  	_ =	swait.ge [sflag:s14], $0x2800  }
0x15: {  	[sflag:s14] =	ssyncset.done $0x0  }
0x16: {  	[sflag:s14] =	ssyncadd.s32 $0xFFFFD800  }
0x17: {  	[bflag:$0x0] =	sbarrier.arrive $0xFFFF  }
0x18: {  	[tilespmem:s4], [sflag:$0x3] =	stream.linear.gather [hbm4b:s7+s4], $0x1400, $0x38;
	[tilespmem:$0x1E800] =	vst v63  }
0x19: {  	_ =	swait.ge [sflag:s14], $0x1400  }
0x1a: {  	[sflag:s14] =	ssyncset.done $0x0  }
0x1b: {  	[sflag:s14] =	ssyncadd.s32 $0xFFFFEC00  }
0x1c: {  	[tilespmem:s15], [sflag:$0x3] =	stream.linear.gather [hbm4b:s8+s4], $0x1400, $0x38;
	[tilespmem:$0x1E800] =	vst v63  }
0x1d: {  	_ =	swait.ge [sflag:s14], $0x1400  }
0x1e: {  	[sflag:s14] =	ssyncset.done $0x0  }
0x1f: {  	[sflag:s14] =	ssyncadd.s32 $0xFFFFEC00  }
0x20: {  	[tilespmem:s17], [sflag:$0x1] =	stream.indirect.gather [hbm4b:s1+s16], $0x80, s4, s16, $0xb8;
	[tilespmem:$0x1E800] =	vst v63  }
0x21: {  	s25 =	simm.s32 $0x80  }
0x22: {  	[tilespmem:s18], [sflag:$0x2] =	stream.indirect.gather [hbm4b:s1+s16], $0x80, s25, s16, $0xb8;
	[tilespmem:$0x1E800] =	vst v63  }
0x23: {  	_ =	swait.ge [sflag:s19], $0x4000  }
0x24: {  	[sflag:s19] =	ssyncset.done $0x0  }
0x25: {  	s29 =	simm.s32 $0x1400;
	[sflag:s19] =	ssyncadd.s32 $0xFFFFC000  }
0x26: {  	[spmem:s2] =	stream.indirect.scatter.add.f32 [tilespmem:s17], [sflag:$0x3], $0x80, s29, s16, $0xb8;
	[tilespmem:$0x1E800] =	vst v63  }
0x27: {  	_ =	swait.ge [sflag:s14], $0x4000  }
0x28: {  	[sflag:s14] =	ssyncset.done $0x0  }
0x29: {  	s30 =	simm.s32 $0x100;
	[sflag:s14] =	ssyncadd.s32 $0xFFFFC000  }
0x2a: {  	[tilespmem:s17], [sflag:$0x1] =	stream.indirect.gather [hbm4b:s1+s16], $0x80, s30, s16, $0xb8;
	[tilespmem:$0x1E800] =	vst v63  }
0x2b: {  	_ =	swait.ge [sflag:s20], $0x4000  }
0x2c: {  	[sflag:s20] =	ssyncset.done $0x0  }
0x2d: {  	s31 =	simm.s32 $0x1480;
	[sflag:s20] =	ssyncadd.s32 $0xFFFFC000  }
0x2e: {  	[spmem:s2] =	stream.indirect.scatter.add.f32 [tilespmem:s18], [sflag:$0x3], $0x80, s31, s16, $0xb8;
	[tilespmem:$0x1E800] =	vst v63  }
0x2f: {  	_ =	swait.ge [sflag:s14], $0x4000  }
0x30: {  	s26 =	simm.s32 $0x800;
	s25 =	simm.s32 $0x100;
	[sflag:s14] =	ssyncset.done $0x0  }
.LBB2_2:
0x31: {  	s28 =	sadd.s32 $0x80, s25  }
0x32: {  	[sflag:s14] =	ssyncadd.s32 $0xFFFFC000;
	s29 =	smov.u32 s26;
	s30 =	sadd.s32 $0x400, s26  }
0x33: {  	[tilespmem:s18], [sflag:$0x2] =	stream.indirect.gather [hbm4b:s1+s16], $0x80, s28, s16, $0xb8;
	[tilespmem:$0x1E800] =	vst v63  }
0x34: {  	p0 =	sne.s32 s26, $0x4800;
	_ =	swait.ge [sflag:s19], $0x4000  }
0x35: {  	[sflag:s19] =	ssyncset.done $0x0  }
0x36: {  	s26 =	sadd.s32 $0x1400, s25;
	[sflag:s19] =	ssyncadd.s32 $0xFFFFC000  }
0x37: {  	[spmem:s2] =	stream.indirect.scatter.add.f32 [tilespmem:s17], [sflag:$0x3], $0x80, s26, s16, $0xb8;
	[tilespmem:$0x1E800] =	vst v63  }
0x38: {  	_ =	swait.ge [sflag:s14], $0x4000  }
0x39: {  	[sflag:s14] =	ssyncset.done $0x0  }
0x3a: {  	s26 =	sadd.s32 $0x100, s25;
	[sflag:s14] =	ssyncadd.s32 $0xFFFFC000  }
0x3b: {  	[tilespmem:s17], [sflag:$0x1] =	stream.indirect.gather [hbm4b:s1+s16], $0x80, s26, s16, $0xb8;
	[tilespmem:$0x1E800] =	vst v63  }
0x3c: {  	_ =	swait.ge [sflag:s20], $0x4000  }
.Ltmp0:
0x3d: {  	[sflag:s20] =	ssyncset.done $0x0;
	(pc) =	sbr.rel @p0 .LBB2_2-.Ltmp0, $4  }
0x3e: {  	s25 =	sadd.s32 $0x1480, s25;
	[sflag:s20] =	ssyncadd.s32 $0xFFFFC000  }
0x3f: {  	[spmem:s2] =	stream.indirect.scatter.add.f32 [tilespmem:s18], [sflag:$0x3], $0x80, s25, s16, $0xb8;
	[tilespmem:$0x1E800] =	vst v63  }
0x40: {  	_ =	swait.ge [sflag:s14], $0x4000  }
0x41: {  	s26 =	smov.u32 s30;
	s25 =	sshra.s32 s29, $0x2;
	[sflag:s14] =	ssyncset.done $0x0  }
0x42: {  	s26 =	sadd.s32 $0x80, s25;
	[sflag:s14] =	ssyncadd.s32 $0xFFFFC000  }
0x43: {  	[tilespmem:s18], [sflag:$0x2] =	stream.indirect.gather [hbm4b:s1+s16], $0x80, s26, s16, $0xb8;
	[tilespmem:$0x1E800] =	vst v63  }
0x44: {  	_ =	swait.ge [sflag:s19], $0x4000  }
0x45: {  	[sflag:s19] =	ssyncset.done $0x0  }
0x46: {  	s29 =	sadd.s32 $0x1400, s25;
	[sflag:s19] =	ssyncadd.s32 $0xFFFFC000  }
0x47: {  	[spmem:s2] =	stream.indirect.scatter.add.f32 [tilespmem:s17], [sflag:$0x3], $0x80, s29, s16, $0xb8;
	[tilespmem:$0x1E800] =	vst v63  }
0x48: {  	_ =	swait.ge [sflag:s14], $0x4000  }
0x49: {  	[sflag:s14] =	ssyncset.done $0x0  }
0x4a: {  	s30 =	sadd.s32 $0x100, s25;
	[sflag:s14] =	ssyncadd.s32 $0xFFFFC000  }
0x4b: {  	[tilespmem:s17], [sflag:$0x1] =	stream.indirect.gather [hbm4b:s1+s16], $0x80, s30, s16, $0xb8;
	[tilespmem:$0x1E800] =	vst v63  }
0x4c: {  	_ =	swait.ge [sflag:s20], $0x4000  }
0x4d: {  	[sflag:s20] =	ssyncset.done $0x0  }
0x4e: {  	s31 =	sadd.s32 $0x1480, s25;
	[sflag:s20] =	ssyncadd.s32 $0xFFFFC000  }
0x4f: {  	[spmem:s2] =	stream.indirect.scatter.add.f32 [tilespmem:s18], [sflag:$0x3], $0x80, s31, s16, $0xb8;
	[tilespmem:$0x1E800] =	vst v63  }
0x50: {  	_ =	swait.ge [sflag:s14], $0x4000  }
0x51: {  	[sflag:s14] =	ssyncset.done $0x0  }
0x52: {  	[sflag:s14] =	ssyncadd.s32 $0xFFFFC000  }
0x53: {  	[tilespmem:s18], [sflag:$0x2] =	stream.indirect.gather [hbm4b:s1+s16], $0x80, s21, s16, $0xb8;
	[tilespmem:$0x1E800] =	vst v63  }
0x54: {  	_ =	swait.ge [sflag:s19], $0x4000  }
0x55: {  	[sflag:s19] =	ssyncset.done $0x0  }
0x56: {  	[sflag:s19] =	ssyncadd.s32 $0xFFFFC000  }
0x57: {  	[spmem:s2] =	stream.indirect.scatter.add.f32 [tilespmem:s17], [sflag:$0x3], $0x80, s22, s16, $0xb8;
	[tilespmem:$0x1E800] =	vst v63  }
0x58: {  	_ =	swait.ge [sflag:s14], $0x4000  }
0x59: {  	[sflag:s14] =	ssyncset.done $0x0  }
0x5a: {  	[sflag:s14] =	ssyncadd.s32 $0xFFFFC000  }
0x5b: {  	_ =	swait.ge [sflag:s20], $0x4000  }
0x5c: {  	[sflag:s20] =	ssyncset.done $0x0  }
0x5d: {  	[sflag:s20] =	ssyncadd.s32 $0xFFFFC000  }
0x5e: {  	[spmem:s2] =	stream.indirect.scatter.add.f32 [tilespmem:s18], [sflag:$0x3], $0x80, s23, s16, $0xb8;
	[tilespmem:$0x1E800] =	vst v63  }
0x5f: {  	_ =	swait.ge [sflag:s14], $0x4000  }
0x60: {  	[sflag:s14] =	ssyncset.done $0x0  }
0x61: {  	s26 =	simm.s32 $0x0;
	[sflag:s14] =	ssyncadd.s32 $0xFFFFC000  }
0x62: {  	[tilespmem:s26], [sflag:$0x3] =	stream.linear.gather [hbm4b:s9+s26], $0x1400, $0x38;
	[tilespmem:$0x1E800] =	vst v63  }
0x63: {  	_ =	swait.ge [sflag:s14], $0x1400  }
0x64: {  	[sflag:s14] =	ssyncset.done $0x0  }
0x65: {  	[sflag:s14] =	ssyncadd.s32 $0xFFFFEC00  }
0x66: {  	[tilespmem:s15], [sflag:$0x3] =	stream.linear.gather [hbm4b:s10+s26], $0x1400, $0x38;
	[tilespmem:$0x1E800] =	vst v63  }
0x67: {  	_ =	swait.ge [sflag:s14], $0x1400  }
0x68: {  	[sflag:s14] =	ssyncset.done $0x0  }
0x69: {  	[sflag:s14] =	ssyncadd.s32 $0xFFFFEC00  }
0x6a: {  	[tilespmem:s17], [sflag:$0x1] =	stream.indirect.gather [hbm4b:s1+s16], $0x80, s26, s16, $0xb8;
	[tilespmem:$0x1E800] =	vst v63  }
0x6b: {  	s28 =	simm.s32 $0x80  }
0x6c: {  	[tilespmem:s18], [sflag:$0x2] =	stream.indirect.gather [hbm4b:s1+s16], $0x80, s28, s16, $0xb8;
	[tilespmem:$0x1E800] =	vst v63  }
0x6d: {  	_ =	swait.ge [sflag:s19], $0x4000  }
0x6e: {  	[sflag:s19] =	ssyncset.done $0x0  }
0x6f: {  	s29 =	simm.s32 $0x1400;
	[sflag:s19] =	ssyncadd.s32 $0xFFFFC000  }
0x70: {  	[spmem:s2] =	stream.indirect.scatter.add.f32 [tilespmem:s17], [sflag:$0x3], $0x80, s29, s16, $0xb8;
	[tilespmem:$0x1E800] =	vst v63  }
0x71: {  	_ =	swait.ge [sflag:s14], $0x4000  }
0x72: {  	[sflag:s14] =	ssyncset.done $0x0  }
0x73: {  	s30 =	simm.s32 $0x100;
	[sflag:s14] =	ssyncadd.s32 $0xFFFFC000  }
0x74: {  	[tilespmem:s17], [sflag:$0x1] =	stream.indirect.gather [hbm4b:s1+s16], $0x80, s30, s16, $0xb8;
	[tilespmem:$0x1E800] =	vst v63  }
0x75: {  	_ =	swait.ge [sflag:s20], $0x4000  }
0x76: {  	[sflag:s20] =	ssyncset.done $0x0  }
0x77: {  	s31 =	simm.s32 $0x1480;
	[sflag:s20] =	ssyncadd.s32 $0xFFFFC000  }
0x78: {  	[spmem:s2] =	stream.indirect.scatter.add.f32 [tilespmem:s18], [sflag:$0x3], $0x80, s31, s16, $0xb8;
	[tilespmem:$0x1E800] =	vst v63  }
0x79: {  	_ =	swait.ge [sflag:s14], $0x4000  }
0x7a: {  	s25 =	simm.s32 $0x100;
	s26 =	simm.s32 $0x800;
	[sflag:s14] =	ssyncset.done $0x0  }
.LBB2_4:
0x7b: {  	s28 =	sadd.s32 $0x80, s25  }
0x7c: {  	[sflag:s14] =	ssyncadd.s32 $0xFFFFC000;
	s29 =	smov.u32 s26;
	s30 =	sadd.s32 $0x400, s26  }
0x7d: {  	[tilespmem:s18], [sflag:$0x2] =	stream.indirect.gather [hbm4b:s1+s16], $0x80, s28, s16, $0xb8;
	[tilespmem:$0x1E800] =	vst v63  }
0x7e: {  	p0 =	sne.s32 s26, $0x4800;
	_ =	swait.ge [sflag:s19], $0x4000  }
0x7f: {  	[sflag:s19] =	ssyncset.done $0x0  }
0x80: {  	s26 =	sadd.s32 $0x1400, s25;
	[sflag:s19] =	ssyncadd.s32 $0xFFFFC000  }
0x81: {  	[spmem:s2] =	stream.indirect.scatter.add.f32 [tilespmem:s17], [sflag:$0x3], $0x80, s26, s16, $0xb8;
	[tilespmem:$0x1E800] =	vst v63  }
0x82: {  	_ =	swait.ge [sflag:s14], $0x4000  }
0x83: {  	[sflag:s14] =	ssyncset.done $0x0  }
0x84: {  	s26 =	sadd.s32 $0x100, s25;
	[sflag:s14] =	ssyncadd.s32 $0xFFFFC000  }
0x85: {  	[tilespmem:s17], [sflag:$0x1] =	stream.indirect.gather [hbm4b:s1+s16], $0x80, s26, s16, $0xb8;
	[tilespmem:$0x1E800] =	vst v63  }
0x86: {  	_ =	swait.ge [sflag:s20], $0x4000  }
.Ltmp1:
0x87: {  	[sflag:s20] =	ssyncset.done $0x0;
	(pc) =	sbr.rel @p0 .LBB2_4-.Ltmp1, $4  }
0x88: {  	s25 =	sadd.s32 $0x1480, s25;
	[sflag:s20] =	ssyncadd.s32 $0xFFFFC000  }
0x89: {  	[spmem:s2] =	stream.indirect.scatter.add.f32 [tilespmem:s18], [sflag:$0x3], $0x80, s25, s16, $0xb8;
	[tilespmem:$0x1E800] =	vst v63  }
0x8a: {  	_ =	swait.ge [sflag:s14], $0x4000  }
0x8b: {  	s26 =	smov.u32 s30;
	s25 =	sshra.s32 s29, $0x2;
	[sflag:s14] =	ssyncset.done $0x0  }
0x8c: {  	s26 =	sadd.s32 $0x80, s25;
	[sflag:s14] =	ssyncadd.s32 $0xFFFFC000  }
0x8d: {  	[tilespmem:s18], [sflag:$0x2] =	stream.indirect.gather [hbm4b:s1+s16], $0x80, s26, s16, $0xb8;
	[tilespmem:$0x1E800] =	vst v63  }
0x8e: {  	_ =	swait.ge [sflag:s19], $0x4000  }
0x8f: {  	[sflag:s19] =	ssyncset.done $0x0  }
0x90: {  	s29 =	sadd.s32 $0x1400, s25;
	[sflag:s19] =	ssyncadd.s32 $0xFFFFC000  }
0x91: {  	[spmem:s2] =	stream.indirect.scatter.add.f32 [tilespmem:s17], [sflag:$0x3], $0x80, s29, s16, $0xb8;
	[tilespmem:$0x1E800] =	vst v63  }
0x92: {  	_ =	swait.ge [sflag:s14], $0x4000  }
0x93: {  	[sflag:s14] =	ssyncset.done $0x0  }
0x94: {  	s30 =	sadd.s32 $0x100, s25;
	[sflag:s14] =	ssyncadd.s32 $0xFFFFC000  }
0x95: {  	[tilespmem:s17], [sflag:$0x1] =	stream.indirect.gather [hbm4b:s1+s16], $0x80, s30, s16, $0xb8;
	[tilespmem:$0x1E800] =	vst v63  }
0x96: {  	_ =	swait.ge [sflag:s20], $0x4000  }
0x97: {  	[sflag:s20] =	ssyncset.done $0x0  }
0x98: {  	s31 =	sadd.s32 $0x1480, s25;
	[sflag:s20] =	ssyncadd.s32 $0xFFFFC000  }
0x99: {  	[spmem:s2] =	stream.indirect.scatter.add.f32 [tilespmem:s18], [sflag:$0x3], $0x80, s31, s16, $0xb8;
	[tilespmem:$0x1E800] =	vst v63  }
0x9a: {  	_ =	swait.ge [sflag:s14], $0x4000  }
0x9b: {  	[sflag:s14] =	ssyncset.done $0x0  }
0x9c: {  	[sflag:s14] =	ssyncadd.s32 $0xFFFFC000  }
0x9d: {  	[tilespmem:s18], [sflag:$0x2] =	stream.indirect.gather [hbm4b:s1+s16], $0x80, s21, s16, $0xb8;
	[tilespmem:$0x1E800] =	vst v63  }
0x9e: {  	_ =	swait.ge [sflag:s19], $0x4000  }
0x9f: {  	[sflag:s19] =	ssyncset.done $0x0  }
0xa0: {  	[sflag:s19] =	ssyncadd.s32 $0xFFFFC000  }
0xa1: {  	[spmem:s2] =	stream.indirect.scatter.add.f32 [tilespmem:s17], [sflag:$0x3], $0x80, s22, s16, $0xb8;
	[tilespmem:$0x1E800] =	vst v63  }
0xa2: {  	_ =	swait.ge [sflag:s14], $0x4000  }
0xa3: {  	[sflag:s14] =	ssyncset.done $0x0  }
0xa4: {  	[sflag:s14] =	ssyncadd.s32 $0xFFFFC000  }
0xa5: {  	_ =	swait.ge [sflag:s20], $0x4000  }
0xa6: {  	[sflag:s20] =	ssyncset.done $0x0  }
0xa7: {  	[sflag:s20] =	ssyncadd.s32 $0xFFFFC000  }
0xa8: {  	[spmem:s2] =	stream.indirect.scatter.add.f32 [tilespmem:s18], [sflag:$0x3], $0x80, s23, s16, $0xb8;
	[tilespmem:$0x1E800] =	vst v63  }
0xa9: {  	_ =	swait.ge [sflag:s14], $0x4000  }
0xaa: {  	s24 =	sadd.s32 $0x1, s24;
	[sflag:s14] =	ssyncset.done $0x0  }
0xab: {  	p0 =	sne.s32 s24, s12;
	[sflag:s14] =	ssyncadd.s32 $0xFFFFC000  }
.Ltmp2:
0xac: {  	[bflag:$0x0] =	sbarrier.arrive $0xFFFF;
	(pc) =	sbr.rel @p0 .LBB2_1-.Ltmp2, $4  }
0xad: {  	[hbm:s11], [sflag:s6] =	dma.local [spmem:s13], $0x2800  }
0xae: {  	_ =	swait.ge [sflag:s14], $0x2800  }
0xaf: {  	[sflag:s14] =	ssyncset.done $0x0  }
0xb0: {  	[sflag:s14] =	ssyncadd.s32 $0xFFFFD800  }
0xb1: {  	_ =	sfence.sel $0x180000  }
0xb2: {  	[bflag:$0x0] =	sbarrier.arrive $0xFFFF  }
0xb3: {  	p0 =	sne.s32 s3, $0x0;
	_ =	strace $0x90000047  }
0xb4: {  	s0 =	sadd.s32 @!p0 $0x100000, s0;
	[bflag:$0x2] =	sbarrier.arrive $0xFFFF  }
0xb5: {  	[sflag:s0] =	ssyncadd.tile.s32 @!p0 $0x1;
	_ =	shalt  }
.Lfunc_end2:
_tile_overlayer_lowered:
.L_overlay_start_2:
0xb6: {  	(tag) =	ssettag $0x2  }
0xb7: {  	s0 =	rddreg [dreg:$0x0];
	s2 =	stileid.u32  }
0xb8: {  	s1 =	rddreg [dreg:$0x1];
	p0 =	sne.s32 s2, $0x0  }
0xb9: {  	s3 =	rddreg [dreg:$0x2];
	[bflag:$0x3] =	sbarrier.arrive $0xFFFF;
	s2 =	simm.s32 @!p0 $0x1C03  }
0xba: {  	[timem:s3], [sflag:s2] =	dma.local @!p0 [hbm:s0], s1  }
0xbb: {  	s0 =	simm.s32 @!p0 $0x3  }
0xbc: {  	_ =	swait.ge @!p0 [sflag:s0], s1  }
0xbd: {  	s1 =	ssub.s32 @!p0 $0x0, s1;
	[sflag:s0] =	ssyncset.done @!p0 $0x0  }
0xbe: {  	[sflag:s0] =	ssyncadd.s32 @!p0 s1  }
0xbf: {  	[bflag:$0x3] =	sbarrier.arrive $0xFFFF  }
0xc0: {  	_ =	shalt  }

// kernel: kernel.9.cloned.1.call-start
scs
__scs_entry_jumppad:
0x0: {  	(pc) =	sbr.rel $0x88, $3  }
0x1: {  	(tag) =	ssettag $0x0;
	lr =	simm.s32 $0x1  }
0x2: {  	[smem:$0x3F9B] =	sst lr;
	_ =	strace $0xD0000000  }
0x3: {  	_ = 	snop  }
0x4: {  	_ = 	snop  }
0x5: {  	_ = 	snop  }
0x6: {  	_ = 	snop  }
0x7: {  	_ = 	snop  }
__scs_overlays_trampoline_lowered:
0x8: {  	[smem:$0x3FAA] =	sst s0  }
0x9: {  	[smem:$0x3FAB] =	sst s1  }
0xa: {  	[smem:$0x3FAC] =	sst s2  }
0xb: {  	[smem:$0x3FAD] =	sst s3  }
0xc: {  	[smem:$0x3FAE] =	sst s4  }
0xd: {  	[smem:$0x3FAF] =	sst s5  }
0xe: {  	[smem:$0x3FB0] =	sst s6  }
0xf: {  	[smem:$0x3FB1] =	sst s7  }
0x10: {  	[smem:$0x3FB2] =	sst s8  }
0x11: {  	[smem:$0x3FB3] =	sst s9;
	s0 =	simm.s32 @!p0 $0x0  }
0x12: {  	s1 =	sld [smem:$0x3F99];
	s0 =	simm.s32 @p0 $0x1  }
0x13: {  	[smem:$0x3FB4] =	sst s0;
	s0 =	simm.s32 @!p1 $0x0  }
0x14: {  	s2 =	sld [smem:$0x3F98];
	s0 =	simm.s32 @p1 $0x1  }
0x15: {  	[smem:$0x3FB5] =	sst s0;
	s0 =	simm.s32 @!p2 $0x0  }
0x16: {  	s3 =	sld [smem:$0x3FDB];
	s0 =	simm.s32 @p2 $0x1  }
0x17: {  	s4 =	simm.s32 $0x1BF5;
	[smem:$0x3FB7] =	sst s0  }
0x18: {  	s0 =	sld [smem:$0x3F9A];
	_ =	swait.ge [sflag:s4], $0x0  }
0x19: {  	s7 =	sld [smem:$0x3F9B]  }
0x1a: {  	s8 =	sadd.s32 $0xFFFFE003, lr  }
0x1b: {  	s9 =	sadd.s32 $0xFFFFFEF7, lr;
	s5 =	simm.s32 $0xFFFFFFFF;
	p2 =	slt.u32 s8, $0xFFFFF086  }
0x1c: {  	p1 =	slt.u32 s9, $0xF7A;
	s5 =	simm.s32 @!p2 $0x0  }
0x1d: {  	s5 =	simm.s32 @p1 $0x1;
	p0 =	seq.s32 s7, s2  }
0x1e: {  	s7 =	smul.u32 @!p0 $0xF7A, s2;
	p2 =	seq.s32 @!p0 s5, $0x0  }
0x1f: {  	s9 =	smul.u32 $0xF7A, s1;
	s8 =	simm.s32 @!p0 $0x1BF5;
	p2 =	por !p2, p0  }
0x20: {  	[sflag:s8] =	ssyncset.s32 @!p0 $0xFFFFF086;
	s6 =	sadd.s32 @!p0 s3, s7;
	s7 =	simm.s32 @!p0 $0x108  }
0x21: {  	s3 =	sadd.s32 s3, s9;
	s6 =	sadd.s32 @!p0 $0x88, s6;
	s7 =	simm.s32 @p2 $0x1082  }
0x22: {  	[simem:s7], [sflag:s8] =	dma.local @!p0 [hbm:s6], $0xF7A  }
0x23: {  	s9 =	sor.u32 $0xD0000000, s2;
	s6 =	simm.s32 $0x108;
	_ =	swait.ge @!p0 [sflag:s8], $0x0  }
0x24: {  	s3 =	sadd.s32 $0x88, s3;
	s6 =	simm.s32 @!p1 $0x1082;
	[sflag:s4] =	ssyncset.s32 $0xFFFFF086  }
0x25: {  	[simem:s6], [sflag:s4] =	dma.local [hbm:s3], $0xF7A  }
0x26: {  	[smem:$0x3F9B] =	sst s1;
	(tag) =	ssettag s2;
	_ =	strace s9  }
0x27: {  	s1 =	sld [smem:$0x3FAB]  }
0x28: {  	s2 =	sld [smem:$0x3FAC]  }
0x29: {  	s4 =	sld [smem:$0x3FAE]  }
0x2a: {  	p0 =	seq.s32 s5, $0x0;
	s5 =	sld [smem:$0x3FAF]  }
0x2b: {  	s6 =	sld [smem:$0x3FB0]  }
0x2c: {  	s7 =	sld [smem:$0x3FB1]  }
0x2d: {  	s3 =	simm.s32 $0x108;
	s8 =	sld [smem:$0x3FB2]  }
0x2e: {  	s3 =	simm.s32 @!p0 $0x1082;
	s9 =	sld [smem:$0x3FB3]  }
0x2f: {  	lr =	sadd.s32 s0, s3;
	s0 =	sld [smem:$0x3FAA]  }
0x30: {  	s3 =	sld [smem:$0x3FAD]  }
0x31: {  	[smem:$0x3FB6] =	sst s10  }
0x32: {  	s10 =	sld [smem:$0x3FB4];
	_ =	sdelay $0x3  }
0x33: {  	p0 =	seq.s32 s10, $0x1;
	s10 =	sld [smem:$0x3FB6];
	_ =	sdelay $0x3  }
0x34: {  	[smem:$0x3FB6] =	sst s10  }
0x35: {  	s10 =	sld [smem:$0x3FB5];
	_ =	sdelay $0x3  }
0x36: {  	p1 =	seq.s32 s10, $0x1;
	s10 =	sld [smem:$0x3FB6];
	_ =	sdelay $0x3  }
0x37: {  	[smem:$0x3FB6] =	sst s10  }
0x38: {  	s10 =	sld [smem:$0x3FB7]  }
0x39: {  	_ = 	snop;
	(pc) =	sbr.ind lr, $3  }
0x3a: {  	_ = 	snop  }
0x3b: {  	_ = 	snop  }
0x3c: {  	p2 =	seq.s32 s10, $0x1;
	s10 =	sld [smem:$0x3FB6]  }
0x3d: {  	_ =	shalt  }
0x3e: {  	_ =	shalt  }
0x3f: {  	_ =	shalt  }
0x40: {  	_ =	shalt  }
0x41: {  	_ =	shalt  }
0x42: {  	_ =	shalt  }
0x43: {  	_ =	shalt  }
0x44: {  	_ =	shalt  }
0x45: {  	_ =	shalt  }
0x46: {  	_ =	shalt  }
0x47: {  	_ =	shalt  }
0x48: {  	_ =	shalt  }
0x49: {  	_ =	shalt  }
0x4a: {  	_ =	shalt  }
0x4b: {  	_ =	shalt  }
0x4c: {  	_ =	shalt  }
0x4d: {  	_ =	shalt  }
0x4e: {  	_ =	shalt  }
0x4f: {  	_ =	shalt  }
0x50: {  	_ =	shalt  }
0x51: {  	_ =	shalt  }
0x52: {  	_ =	shalt  }
0x53: {  	_ =	shalt  }
0x54: {  	_ =	shalt  }
0x55: {  	_ =	shalt  }
0x56: {  	_ =	shalt  }
0x57: {  	_ =	shalt  }
0x58: {  	_ =	shalt  }
0x59: {  	_ =	shalt  }
0x5a: {  	_ =	shalt  }
0x5b: {  	_ =	shalt  }
0x5c: {  	_ =	shalt  }
0x5d: {  	_ =	shalt  }
0x5e: {  	_ =	shalt  }
0x5f: {  	_ =	shalt  }
0x60: {  	_ =	shalt  }
0x61: {  	_ =	shalt  }
0x62: {  	_ =	shalt  }
0x63: {  	_ =	shalt  }
0x64: {  	_ =	shalt  }
0x65: {  	_ =	shalt  }
0x66: {  	_ =	shalt  }
0x67: {  	_ =	shalt  }
0x68: {  	_ =	shalt  }
0x69: {  	_ =	shalt  }
0x6a: {  	_ =	shalt  }
0x6b: {  	_ =	shalt  }
0x6c: {  	_ =	shalt  }
0x6d: {  	_ =	shalt  }
0x6e: {  	_ =	shalt  }
0x6f: {  	_ =	shalt  }
0x70: {  	_ =	shalt  }
0x71: {  	_ =	shalt  }
0x72: {  	_ =	shalt  }
0x73: {  	_ =	shalt  }
0x74: {  	_ =	shalt  }
0x75: {  	_ =	shalt  }
0x76: {  	_ =	shalt  }
0x77: {  	_ =	shalt  }
0x78: {  	_ =	shalt  }
0x79: {  	_ =	shalt  }
0x7a: {  	_ =	shalt  }
0x7b: {  	_ =	shalt  }
0x7c: {  	_ =	shalt  }
0x7d: {  	_ =	shalt  }
0x7e: {  	_ =	shalt  }
0x7f: {  	_ =	shalt  }
0x80: {  	_ =	shalt  }
0x81: {  	_ =	shalt  }
0x82: {  	_ =	shalt  }
0x83: {  	_ =	shalt  }
0x84: {  	_ =	shalt  }
0x85: {  	_ =	shalt  }
0x86: {  	_ =	shalt  }
0x87: {  	_ =	shalt  }
.Lfunc_end0:
.L_simem_size_0:
called_computation.1_lowered:
.L_overlay_start_0:
0x88: {  	s2 =	sld [smem:$0x3FD9]  }
0x89: {  	s3 =	sld [smem:$0x3FFE];
	_ =	sdelay $0x1  }
0x8a: {  	s1 =	srdreg.scid  }
0x8b: {  	s0 =	sand.u32 $0x1, s1  }
0x8c: {  	s17 =	sshll.u32 s0, $0xA;
	s2 =	sadd.s32 s3, s2  }
0x8d: {  	s2 =	sadd.s32 s2, s17  }
0x8e: {  	[smem:$0x3FC2] =	sst s2  }
0x8f: {  	_ = 	snop  }
0x90: {  	s2 =	sld [smem:$0x3FD0];
	(tm) =	ssettm $0x1  }
0x91: {  	s18 =	sld [smem:$0x3FFB];
	_ =	sdelay $0x3  }
0x92: {  	_ =	strace s18  }
0x93: {  	s3 =	sld [smem:$0x3FFC];
	_ =	sdelay $0x3  }
0x94: {  	_ =	strace s3  }
0x95: {  	s3 =	sld [smem:$0x3FFD];
	_ =	sdelay $0x3  }
0x96: {  	_ =	strace s3  }
0x97: {  	_ =	strace $0x8FFFFFFF  }
0x98: {  	s19 =	sld [smem:$0x3FDB];
	_ =	sdelay $0x1  }
0x99: {  	s4 =	simm.s32 $_scs_section_size  }
0x9a: {  	s5 =	simm.s32 $_size__tile_overlayer_lowered;
	s6 =	simm.s32 $_tile_overlayer_lowered  }
0x9b: {  	s22 =	simm.s32 $0x1BFF;
	s21 =	sshll.u32 s6, $0x1;
	s3 =	sadd.s32 s4, s19  }
0x9c: {  	s7 =	simm.s32 $0x0;
	s20 =	sshll.u32 s5, $0x1;
	s5 =	sadd.s32 s21, s3  }
0x9d: {  	[timem:s7], [sflag:s22] =	dma.local [hbm:s5], s20  }
0x9e: {  	_ =	swait.ge [sflag:s22], s20  }
0x9f: {  	s4 =	ssub.s32 $0x0, s20;
	[sflag:s22] =	ssyncset.done $0x0  }
0xa0: {  	[sflag:s22] =	ssyncadd.s32 s4;
	_ =	sdelay $0x1  }
0xa1: {  	s23 =	simm.s32 $0x1B8B  }
0xa2: {  	_ =	swait.ge [sflag:s23], $0x1  }
0xa3: {  	[sflag:s23] =	ssyncset.done $0x0  }
0xa4: {  	s25 =	simm.s32 $0x1B8E;
	s24 =	sld [smem:$0x3FFE];
	[sflag:s23] =	ssyncadd.s32 $0xFFFFFFFF  }
0xa5: {  	s26 =	simm.s32 $execute0_lowered;
	[smem:$0x3FD2] =	sst s25  }
0xa6: {  	s5 =	sshll.u32 s26, $0x1;
	_ =	strace $0x80000049;
	[dreg:$0x1] =	wrdreg $0xFFFFFFFF  }
0xa7: {  	s28 =	simm.s32 $_size_execute0_lowered;
	s3 =	sadd.s32 s3, s5;
	[dreg:$0x0] =	wrdreg $0x0  }
0xa8: {  	s5 =	sshll.u32 s28, $0x1;
	[dreg:$0x2] =	wrdreg s3  }
0xa9: {  	[dreg:$0x3] =	wrdreg s5  }
0xaa: {  	[dreg:$0x4] =	wrdreg $0xC0  }
0xab: {  	_ =	task [dreg:s7], $0x5FFFF  }
0xac: {  	[dreg:$0x1] =	wrdreg $0xFFFFFFFF  }
0xad: {  	[dreg:$0x0] =	wrdreg $0x60  }
0xae: {  	[dreg:$0x2] =	wrdreg s2  }
0xaf: {  	[dreg:$0x3] =	wrdreg s24  }
0xb0: {  	[dreg:$0x4] =	wrdreg $0xA8000  }
0xb1: {  	[dreg:$0x5] =	wrdreg $0x9  }
0xb2: {  	_ =	task.clear_ibuf [dreg:s7], $0x6FFFF;
	_ =	strace $0x90000049  }
0xb3: {  	s29 =	simm.s32 $0x9;
	_ =	strace $0x8000004B  }
0xb4: {  	_ =	swait.ge [sflag:s29], $0x1  }
0xb5: {  	[sflag:s29] =	ssyncadd.s32 $0xFFFFFFFF  }
0xb6: {  	_ =	strace $0x9000004B  }
0xb7: {  	_ =	sfence  }
0xb8: {  	s30 =	sld [smem:$0x0];
	_ =	sdelay $0x2  }
0xb9: {  	s31 =	sshll.u32 s1, $0xD;
	s1 =	sshrl.u32 s1, $0x2  }
0xba: {  	s3 =	sand.u32 $0x4000, s31;
	s1 =	sadd.s32 s1, s30  }
0xbb: {  	s0 =	sor.u32 s3, s0;
	s1 =	sshll.u32 s1, $0x11  }
0xbc: {  	s0 =	sor.u32 s1, s0  }
0xbd: {  	s0 =	sadd.s32 $0x8F2B, s0  }
0xbe: {  	[sflag:s0] =	ssyncadd.remote.s32 $0x1  }
0xbf: {  	_ =	sfence.sel $0xFFFF  }
0xc0: {  	[dreg:$0x0] =	wrdreg $0xFFFFFFFF;
	(pc) =	sbr.abs _section_cstart, $3  }
0xc1: {  	[dreg:$0x1] =	wrdreg $0xFFFFFFFF  }
0xc2: {  	_ =	task.clear_ibuf [dreg:s7], $0x2FFFF;
	_ =	strace $0x9FFFFFFF  }
0xc3: {  	(tm) =	ssettm $0x7FFFFFFF  }
tec
execute0_lowered:
.L_overlay_start_1:
0x0: {  	(tag) =	ssettag $0x1  }
0x1: {  	s1 =	rddreg [dreg:$0x0]  }
0x2: {  	s6 =	rddreg [dreg:$0x1]  }
0x3: {  	s2 =	rddreg [dreg:$0x2];
	s3 =	srdreg.scid  }
0x4: {  	s0 =	rddreg [dreg:$0x3];
	s4 =	simm.s32 $0x0;
	s15 =	simm.s32 $0x1400  }
0x5: {  	s16 =	simm.s32 $0x80;
	s17 =	simm.s32 $0x2800;
	s18 =	simm.s32 $0x6800  }
0x6: {  	s19 =	simm.s32 $0x1;
	s20 =	simm.s32 $0x2;
	s21 =	simm.s32 $0x1380  }
0x7: {  	s22 =	simm.s32 $0x2700;
	s5 =	sand.u32 $0x1, s3;
	s3 =	stileid.u32  }
0x8: {  	s23 =	simm.s32 $0x2780;
	[smem:$0x7FF] =	sst s4;
	s7 =	smul.u32 $0x140000, s5  }
0x9: {  	s9 =	sadd.s32 $0x1A00, s6;
	s10 =	sadd.s32 $0xBA00, s6;
	s8 =	smul.u32 $0x14000, s3  }
0xa: {  	_ =	strace $0x8000004A;
	s24 =	sshll.u32 s3, $0x1;
	s11 =	ssub.s32 $0x2, s5  }
0xb: {  	s25 =	smul.u32 $0x50000, s3;
	s28 =	sshll.u32 s3, $0x6;
	s5 =	sor.u32 s5, s24  }
0xc: {  	s12 =	sshrl.u32 s11, $0x1;
	s24 =	simm.s32 $0x0;
	s7 =	sadd.s32 s8, s7  }
0xd: {  	s13 =	smul.u32 $0x2800, s5;
	s5 =	sadd.s32 $0x15A00, s6;
	s26 =	sshrl.u32 s25, $0x2  }
0xe: {  	s12 =	ssub.s32 s11, s12;
	s7 =	sshrl.u32 s7, $0x3;
	s30 =	sadd.s32 s26, s2  }
0xf: {  	s12 =	smax.u32 s12, $0x1;
	s14 =	sadd.s32 s7, s6;
	s29 =	sshrl.u32 s13, $0x3  }
0x10: {  	s6 =	sor.u32 $0x1C03, s28;
	s13 =	sshrl.u32 s30, $0x3;
	s31 =	sadd.s32 $0x280, s29  }
0x11: {  	s7 =	sadd.s32 s9, s29;
	s8 =	sadd.s32 s10, s29;
	s11 =	sadd.s32 $0x18200, s14  }
0x12: {  	s14 =	simm.s32 $0x3;
	s9 =	sadd.s32 s9, s31;
	s10 =	sadd.s32 s10, s31  }
.LBB2_1:
0x13: {  	[spmem:s13], [sflag:s6] =	dma.local [hbm:s5], $0x2800  }
0x14: {  	_ =	swait.ge [sflag:s14], $0x2800  }
0x15: {  	[sflag:s14] =	ssyncset.done $0x0  }
0x16: {  	[sflag:s14] =	ssyncadd.s32 $0xFFFFD800  }
0x17: {  	[bflag:$0x0] =	sbarrier.arrive $0xFFFF  }
0x18: {  	[tilespmem:s4], [sflag:$0x3] =	stream.linear.gather [hbm4b:s7+s4], $0x1400, $0x38;
	[tilespmem:$0x1E800] =	vst v63  }
0x19: {  	_ =	swait.ge [sflag:s14], $0x1400  }
0x1a: {  	[sflag:s14] =	ssyncset.done $0x0  }
0x1b: {  	[sflag:s14] =	ssyncadd.s32 $0xFFFFEC00  }
0x1c: {  	[tilespmem:s15], [sflag:$0x3] =	stream.linear.gather [hbm4b:s8+s4], $0x1400, $0x38;
	[tilespmem:$0x1E800] =	vst v63  }
0x1d: {  	_ =	swait.ge [sflag:s14], $0x1400  }
0x1e: {  	[sflag:s14] =	ssyncset.done $0x0  }
0x1f: {  	[sflag:s14] =	ssyncadd.s32 $0xFFFFEC00  }
0x20: {  	[tilespmem:s17], [sflag:$0x1] =	stream.indirect.gather [hbm4b:s1+s16], $0x80, s4, s16, $0xb8;
	[tilespmem:$0x1E800] =	vst v63  }
0x21: {  	s25 =	simm.s32 $0x80  }
0x22: {  	[tilespmem:s18], [sflag:$0x2] =	stream.indirect.gather [hbm4b:s1+s16], $0x80, s25, s16, $0xb8;
	[tilespmem:$0x1E800] =	vst v63  }
0x23: {  	_ =	swait.ge [sflag:s19], $0x4000  }
0x24: {  	[sflag:s19] =	ssyncset.done $0x0  }
0x25: {  	s29 =	simm.s32 $0x1400;
	[sflag:s19] =	ssyncadd.s32 $0xFFFFC000  }
0x26: {  	[spmem:s2] =	stream.indirect.scatter.add.f32 [tilespmem:s17], [sflag:$0x3], $0x80, s29, s16, $0xb8;
	[tilespmem:$0x1E800] =	vst v63  }
0x27: {  	_ =	swait.ge [sflag:s14], $0x4000  }
0x28: {  	[sflag:s14] =	ssyncset.done $0x0  }
0x29: {  	s30 =	simm.s32 $0x100;
	[sflag:s14] =	ssyncadd.s32 $0xFFFFC000  }
0x2a: {  	[tilespmem:s17], [sflag:$0x1] =	stream.indirect.gather [hbm4b:s1+s16], $0x80, s30, s16, $0xb8;
	[tilespmem:$0x1E800] =	vst v63  }
0x2b: {  	_ =	swait.ge [sflag:s20], $0x4000  }
0x2c: {  	[sflag:s20] =	ssyncset.done $0x0  }
0x2d: {  	s31 =	simm.s32 $0x1480;
	[sflag:s20] =	ssyncadd.s32 $0xFFFFC000  }
0x2e: {  	[spmem:s2] =	stream.indirect.scatter.add.f32 [tilespmem:s18], [sflag:$0x3], $0x80, s31, s16, $0xb8;
	[tilespmem:$0x1E800] =	vst v63  }
0x2f: {  	_ =	swait.ge [sflag:s14], $0x4000  }
0x30: {  	s26 =	simm.s32 $0x800;
	s25 =	simm.s32 $0x100;
	[sflag:s14] =	ssyncset.done $0x0  }
.LBB2_2:
0x31: {  	s28 =	sadd.s32 $0x80, s25  }
0x32: {  	[sflag:s14] =	ssyncadd.s32 $0xFFFFC000;
	s29 =	smov.u32 s26;
	s30 =	sadd.s32 $0x400, s26  }
0x33: {  	[tilespmem:s18], [sflag:$0x2] =	stream.indirect.gather [hbm4b:s1+s16], $0x80, s28, s16, $0xb8;
	[tilespmem:$0x1E800] =	vst v63  }
0x34: {  	p0 =	sne.s32 s26, $0x4800;
	_ =	swait.ge [sflag:s19], $0x4000  }
0x35: {  	[sflag:s19] =	ssyncset.done $0x0  }
0x36: {  	s26 =	sadd.s32 $0x1400, s25;
	[sflag:s19] =	ssyncadd.s32 $0xFFFFC000  }
0x37: {  	[spmem:s2] =	stream.indirect.scatter.add.f32 [tilespmem:s17], [sflag:$0x3], $0x80, s26, s16, $0xb8;
	[tilespmem:$0x1E800] =	vst v63  }
0x38: {  	_ =	swait.ge [sflag:s14], $0x4000  }
0x39: {  	[sflag:s14] =	ssyncset.done $0x0  }
0x3a: {  	s26 =	sadd.s32 $0x100, s25;
	[sflag:s14] =	ssyncadd.s32 $0xFFFFC000  }
0x3b: {  	[tilespmem:s17], [sflag:$0x1] =	stream.indirect.gather [hbm4b:s1+s16], $0x80, s26, s16, $0xb8;
	[tilespmem:$0x1E800] =	vst v63  }
0x3c: {  	_ =	swait.ge [sflag:s20], $0x4000  }
.Ltmp0:
0x3d: {  	[sflag:s20] =	ssyncset.done $0x0;
	(pc) =	sbr.rel @p0 .LBB2_2-.Ltmp0, $4  }
0x3e: {  	s25 =	sadd.s32 $0x1480, s25;
	[sflag:s20] =	ssyncadd.s32 $0xFFFFC000  }
0x3f: {  	[spmem:s2] =	stream.indirect.scatter.add.f32 [tilespmem:s18], [sflag:$0x3], $0x80, s25, s16, $0xb8;
	[tilespmem:$0x1E800] =	vst v63  }
0x40: {  	_ =	swait.ge [sflag:s14], $0x4000  }
0x41: {  	s26 =	smov.u32 s30;
	s25 =	sshra.s32 s29, $0x2;
	[sflag:s14] =	ssyncset.done $0x0  }
0x42: {  	s26 =	sadd.s32 $0x80, s25;
	[sflag:s14] =	ssyncadd.s32 $0xFFFFC000  }
0x43: {  	[tilespmem:s18], [sflag:$0x2] =	stream.indirect.gather [hbm4b:s1+s16], $0x80, s26, s16, $0xb8;
	[tilespmem:$0x1E800] =	vst v63  }
0x44: {  	_ =	swait.ge [sflag:s19], $0x4000  }
0x45: {  	[sflag:s19] =	ssyncset.done $0x0  }
0x46: {  	s29 =	sadd.s32 $0x1400, s25;
	[sflag:s19] =	ssyncadd.s32 $0xFFFFC000  }
0x47: {  	[spmem:s2] =	stream.indirect.scatter.add.f32 [tilespmem:s17], [sflag:$0x3], $0x80, s29, s16, $0xb8;
	[tilespmem:$0x1E800] =	vst v63  }
0x48: {  	_ =	swait.ge [sflag:s14], $0x4000  }
0x49: {  	[sflag:s14] =	ssyncset.done $0x0  }
0x4a: {  	s30 =	sadd.s32 $0x100, s25;
	[sflag:s14] =	ssyncadd.s32 $0xFFFFC000  }
0x4b: {  	[tilespmem:s17], [sflag:$0x1] =	stream.indirect.gather [hbm4b:s1+s16], $0x80, s30, s16, $0xb8;
	[tilespmem:$0x1E800] =	vst v63  }
0x4c: {  	_ =	swait.ge [sflag:s20], $0x4000  }
0x4d: {  	[sflag:s20] =	ssyncset.done $0x0  }
0x4e: {  	s31 =	sadd.s32 $0x1480, s25;
	[sflag:s20] =	ssyncadd.s32 $0xFFFFC000  }
0x4f: {  	[spmem:s2] =	stream.indirect.scatter.add.f32 [tilespmem:s18], [sflag:$0x3], $0x80, s31, s16, $0xb8;
	[tilespmem:$0x1E800] =	vst v63  }
0x50: {  	_ =	swait.ge [sflag:s14], $0x4000  }
0x51: {  	[sflag:s14] =	ssyncset.done $0x0  }
0x52: {  	[sflag:s14] =	ssyncadd.s32 $0xFFFFC000  }
0x53: {  	[tilespmem:s18], [sflag:$0x2] =	stream.indirect.gather [hbm4b:s1+s16], $0x80, s21, s16, $0xb8;
	[tilespmem:$0x1E800] =	vst v63  }
0x54: {  	_ =	swait.ge [sflag:s19], $0x4000  }
0x55: {  	[sflag:s19] =	ssyncset.done $0x0  }
0x56: {  	[sflag:s19] =	ssyncadd.s32 $0xFFFFC000  }
0x57: {  	[spmem:s2] =	stream.indirect.scatter.add.f32 [tilespmem:s17], [sflag:$0x3], $0x80, s22, s16, $0xb8;
	[tilespmem:$0x1E800] =	vst v63  }
0x58: {  	_ =	swait.ge [sflag:s14], $0x4000  }
0x59: {  	[sflag:s14] =	ssyncset.done $0x0  }
0x5a: {  	[sflag:s14] =	ssyncadd.s32 $0xFFFFC000  }
0x5b: {  	_ =	swait.ge [sflag:s20], $0x4000  }
0x5c: {  	[sflag:s20] =	ssyncset.done $0x0  }
0x5d: {  	[sflag:s20] =	ssyncadd.s32 $0xFFFFC000  }
0x5e: {  	[spmem:s2] =	stream.indirect.scatter.add.f32 [tilespmem:s18], [sflag:$0x3], $0x80, s23, s16, $0xb8;
	[tilespmem:$0x1E800] =	vst v63  }
0x5f: {  	_ =	swait.ge [sflag:s14], $0x4000  }
0x60: {  	[sflag:s14] =	ssyncset.done $0x0  }
0x61: {  	s26 =	simm.s32 $0x0;
	[sflag:s14] =	ssyncadd.s32 $0xFFFFC000  }
0x62: {  	[tilespmem:s26], [sflag:$0x3] =	stream.linear.gather [hbm4b:s9+s26], $0x1400, $0x38;
	[tilespmem:$0x1E800] =	vst v63  }
0x63: {  	_ =	swait.ge [sflag:s14], $0x1400  }
0x64: {  	[sflag:s14] =	ssyncset.done $0x0  }
0x65: {  	[sflag:s14] =	ssyncadd.s32 $0xFFFFEC00  }
0x66: {  	[tilespmem:s15], [sflag:$0x3] =	stream.linear.gather [hbm4b:s10+s26], $0x1400, $0x38;
	[tilespmem:$0x1E800] =	vst v63  }
0x67: {  	_ =	swait.ge [sflag:s14], $0x1400  }
0x68: {  	[sflag:s14] =	ssyncset.done $0x0  }
0x69: {  	[sflag:s14] =	ssyncadd.s32 $0xFFFFEC00  }
0x6a: {  	[tilespmem:s17], [sflag:$0x1] =	stream.indirect.gather [hbm4b:s1+s16], $0x80, s26, s16, $0xb8;
	[tilespmem:$0x1E800] =	vst v63  }
0x6b: {  	s28 =	simm.s32 $0x80  }
0x6c: {  	[tilespmem:s18], [sflag:$0x2] =	stream.indirect.gather [hbm4b:s1+s16], $0x80, s28, s16, $0xb8;
	[tilespmem:$0x1E800] =	vst v63  }
0x6d: {  	_ =	swait.ge [sflag:s19], $0x4000  }
0x6e: {  	[sflag:s19] =	ssyncset.done $0x0  }
0x6f: {  	s29 =	simm.s32 $0x1400;
	[sflag:s19] =	ssyncadd.s32 $0xFFFFC000  }
0x70: {  	[spmem:s2] =	stream.indirect.scatter.add.f32 [tilespmem:s17], [sflag:$0x3], $0x80, s29, s16, $0xb8;
	[tilespmem:$0x1E800] =	vst v63  }
0x71: {  	_ =	swait.ge [sflag:s14], $0x4000  }
0x72: {  	[sflag:s14] =	ssyncset.done $0x0  }
0x73: {  	s30 =	simm.s32 $0x100;
	[sflag:s14] =	ssyncadd.s32 $0xFFFFC000  }
0x74: {  	[tilespmem:s17], [sflag:$0x1] =	stream.indirect.gather [hbm4b:s1+s16], $0x80, s30, s16, $0xb8;
	[tilespmem:$0x1E800] =	vst v63  }
0x75: {  	_ =	swait.ge [sflag:s20], $0x4000  }
0x76: {  	[sflag:s20] =	ssyncset.done $0x0  }
0x77: {  	s31 =	simm.s32 $0x1480;
	[sflag:s20] =	ssyncadd.s32 $0xFFFFC000  }
0x78: {  	[spmem:s2] =	stream.indirect.scatter.add.f32 [tilespmem:s18], [sflag:$0x3], $0x80, s31, s16, $0xb8;
	[tilespmem:$0x1E800] =	vst v63  }
0x79: {  	_ =	swait.ge [sflag:s14], $0x4000  }
0x7a: {  	s25 =	simm.s32 $0x100;
	s26 =	simm.s32 $0x800;
	[sflag:s14] =	ssyncset.done $0x0  }
.LBB2_4:
0x7b: {  	s28 =	sadd.s32 $0x80, s25  }
0x7c: {  	[sflag:s14] =	ssyncadd.s32 $0xFFFFC000;
	s29 =	smov.u32 s26;
	s30 =	sadd.s32 $0x400, s26  }
0x7d: {  	[tilespmem:s18], [sflag:$0x2] =	stream.indirect.gather [hbm4b:s1+s16], $0x80, s28, s16, $0xb8;
	[tilespmem:$0x1E800] =	vst v63  }
0x7e: {  	p0 =	sne.s32 s26, $0x4800;
	_ =	swait.ge [sflag:s19], $0x4000  }
0x7f: {  	[sflag:s19] =	ssyncset.done $0x0  }
0x80: {  	s26 =	sadd.s32 $0x1400, s25;
	[sflag:s19] =	ssyncadd.s32 $0xFFFFC000  }
0x81: {  	[spmem:s2] =	stream.indirect.scatter.add.f32 [tilespmem:s17], [sflag:$0x3], $0x80, s26, s16, $0xb8;
	[tilespmem:$0x1E800] =	vst v63  }
0x82: {  	_ =	swait.ge [sflag:s14], $0x4000  }
0x83: {  	[sflag:s14] =	ssyncset.done $0x0  }
0x84: {  	s26 =	sadd.s32 $0x100, s25;
	[sflag:s14] =	ssyncadd.s32 $0xFFFFC000  }
0x85: {  	[tilespmem:s17], [sflag:$0x1] =	stream.indirect.gather [hbm4b:s1+s16], $0x80, s26, s16, $0xb8;
	[tilespmem:$0x1E800] =	vst v63  }
0x86: {  	_ =	swait.ge [sflag:s20], $0x4000  }
.Ltmp1:
0x87: {  	[sflag:s20] =	ssyncset.done $0x0;
	(pc) =	sbr.rel @p0 .LBB2_4-.Ltmp1, $4  }
0x88: {  	s25 =	sadd.s32 $0x1480, s25;
	[sflag:s20] =	ssyncadd.s32 $0xFFFFC000  }
0x89: {  	[spmem:s2] =	stream.indirect.scatter.add.f32 [tilespmem:s18], [sflag:$0x3], $0x80, s25, s16, $0xb8;
	[tilespmem:$0x1E800] =	vst v63  }
0x8a: {  	_ =	swait.ge [sflag:s14], $0x4000  }
0x8b: {  	s26 =	smov.u32 s30;
	s25 =	sshra.s32 s29, $0x2;
	[sflag:s14] =	ssyncset.done $0x0  }
0x8c: {  	s26 =	sadd.s32 $0x80, s25;
	[sflag:s14] =	ssyncadd.s32 $0xFFFFC000  }
0x8d: {  	[tilespmem:s18], [sflag:$0x2] =	stream.indirect.gather [hbm4b:s1+s16], $0x80, s26, s16, $0xb8;
	[tilespmem:$0x1E800] =	vst v63  }
0x8e: {  	_ =	swait.ge [sflag:s19], $0x4000  }
0x8f: {  	[sflag:s19] =	ssyncset.done $0x0  }
0x90: {  	s29 =	sadd.s32 $0x1400, s25;
	[sflag:s19] =	ssyncadd.s32 $0xFFFFC000  }
0x91: {  	[spmem:s2] =	stream.indirect.scatter.add.f32 [tilespmem:s17], [sflag:$0x3], $0x80, s29, s16, $0xb8;
	[tilespmem:$0x1E800] =	vst v63  }
0x92: {  	_ =	swait.ge [sflag:s14], $0x4000  }
0x93: {  	[sflag:s14] =	ssyncset.done $0x0  }
0x94: {  	s30 =	sadd.s32 $0x100, s25;
	[sflag:s14] =	ssyncadd.s32 $0xFFFFC000  }
0x95: {  	[tilespmem:s17], [sflag:$0x1] =	stream.indirect.gather [hbm4b:s1+s16], $0x80, s30, s16, $0xb8;
	[tilespmem:$0x1E800] =	vst v63  }
0x96: {  	_ =	swait.ge [sflag:s20], $0x4000  }
0x97: {  	[sflag:s20] =	ssyncset.done $0x0  }
0x98: {  	s31 =	sadd.s32 $0x1480, s25;
	[sflag:s20] =	ssyncadd.s32 $0xFFFFC000  }
0x99: {  	[spmem:s2] =	stream.indirect.scatter.add.f32 [tilespmem:s18], [sflag:$0x3], $0x80, s31, s16, $0xb8;
	[tilespmem:$0x1E800] =	vst v63  }
0x9a: {  	_ =	swait.ge [sflag:s14], $0x4000  }
0x9b: {  	[sflag:s14] =	ssyncset.done $0x0  }
0x9c: {  	[sflag:s14] =	ssyncadd.s32 $0xFFFFC000  }
0x9d: {  	[tilespmem:s18], [sflag:$0x2] =	stream.indirect.gather [hbm4b:s1+s16], $0x80, s21, s16, $0xb8;
	[tilespmem:$0x1E800] =	vst v63  }
0x9e: {  	_ =	swait.ge [sflag:s19], $0x4000  }
0x9f: {  	[sflag:s19] =	ssyncset.done $0x0  }
0xa0: {  	[sflag:s19] =	ssyncadd.s32 $0xFFFFC000  }
0xa1: {  	[spmem:s2] =	stream.indirect.scatter.add.f32 [tilespmem:s17], [sflag:$0x3], $0x80, s22, s16, $0xb8;
	[tilespmem:$0x1E800] =	vst v63  }
0xa2: {  	_ =	swait.ge [sflag:s14], $0x4000  }
0xa3: {  	[sflag:s14] =	ssyncset.done $0x0  }
0xa4: {  	[sflag:s14] =	ssyncadd.s32 $0xFFFFC000  }
0xa5: {  	_ =	swait.ge [sflag:s20], $0x4000  }
0xa6: {  	[sflag:s20] =	ssyncset.done $0x0  }
0xa7: {  	[sflag:s20] =	ssyncadd.s32 $0xFFFFC000  }
0xa8: {  	[spmem:s2] =	stream.indirect.scatter.add.f32 [tilespmem:s18], [sflag:$0x3], $0x80, s23, s16, $0xb8;
	[tilespmem:$0x1E800] =	vst v63  }
0xa9: {  	_ =	swait.ge [sflag:s14], $0x4000  }
0xaa: {  	s24 =	sadd.s32 $0x1, s24;
	[sflag:s14] =	ssyncset.done $0x0  }
0xab: {  	p0 =	sne.s32 s24, s12;
	[sflag:s14] =	ssyncadd.s32 $0xFFFFC000  }
.Ltmp2:
0xac: {  	[bflag:$0x0] =	sbarrier.arrive $0xFFFF;
	(pc) =	sbr.rel @p0 .LBB2_1-.Ltmp2, $4  }
0xad: {  	[hbm:s11], [sflag:s6] =	dma.local [spmem:s13], $0x2800  }
0xae: {  	_ =	swait.ge [sflag:s14], $0x2800  }
0xaf: {  	[sflag:s14] =	ssyncset.done $0x0  }
0xb0: {  	[sflag:s14] =	ssyncadd.s32 $0xFFFFD800  }
0xb1: {  	_ =	sfence.sel $0x180000  }
0xb2: {  	[bflag:$0x0] =	sbarrier.arrive $0xFFFF  }
0xb3: {  	p0 =	sne.s32 s3, $0x0;
	_ =	strace $0x9000004A  }
0xb4: {  	s0 =	sadd.s32 @!p0 $0x100000, s0;
	[bflag:$0x2] =	sbarrier.arrive $0xFFFF  }
0xb5: {  	[sflag:s0] =	ssyncadd.tile.s32 @!p0 $0x1;
	_ =	shalt  }
.Lfunc_end2:
_tile_overlayer_lowered:
.L_overlay_start_2:
0xb6: {  	(tag) =	ssettag $0x2  }
0xb7: {  	s0 =	rddreg [dreg:$0x0];
	s2 =	stileid.u32  }
0xb8: {  	s1 =	rddreg [dreg:$0x1];
	p0 =	sne.s32 s2, $0x0  }
0xb9: {  	s3 =	rddreg [dreg:$0x2];
	[bflag:$0x3] =	sbarrier.arrive $0xFFFF;
	s2 =	simm.s32 @!p0 $0x1C03  }
0xba: {  	[timem:s3], [sflag:s2] =	dma.local @!p0 [hbm:s0], s1  }
0xbb: {  	s0 =	simm.s32 @!p0 $0x3  }
0xbc: {  	_ =	swait.ge @!p0 [sflag:s0], s1  }
0xbd: {  	s1 =	ssub.s32 @!p0 $0x0, s1;
	[sflag:s0] =	ssyncset.done @!p0 $0x0  }
0xbe: {  	[sflag:s0] =	ssyncadd.s32 @!p0 s1  }
0xbf: {  	[bflag:$0x3] =	sbarrier.arrive $0xFFFF  }
0xc0: {  	_ =	shalt  }

</sc_bundles>
